<compile_context>
chip_gen: v7x
topology: tpu7x:2x2x1
jax: 0.10.2.dev20260603
libtpu: 0.0.44.dev20260713+nightly
codegen_flags: <defaults>
</compile_context>

<pallas_src>
import functools

import jax
import jax.numpy as jnp
from jax import lax
from jax.experimental import pallas as pl
from jax.experimental.pallas import tpu as pltpu

_B = 256
_ADIM = 1024
_ZDIM = 64

_BF = jnp.bfloat16
_F32 = jnp.float32



def _mm_body(x_ref, w_ref, b_ref, o_ref, *, relu, out_bf16):
    x = x_ref[0]
    w = w_ref[0]
    y = jnp.dot(x, w, preferred_element_type=_F32)
    y = y + b_ref[0]
    if relu:
        y = jnp.maximum(y, 0.0)
    if out_bf16:
        y = y.astype(_BF)
    o_ref[0] = y


def _mm(xs, ws, bs, relu, out_bf16, mb=4096):
    g, m, k = xs.shape
    n = ws.shape[2]
    mb = min(mb, m)
    assert m % mb == 0
    body = functools.partial(_mm_body, relu=relu, out_bf16=out_bf16)
    return pl.pallas_call(
        body,
        grid=(g, m // mb),
        in_specs=[
            pl.BlockSpec((1, mb, k), lambda i, j: (i, j, 0)),
            pl.BlockSpec((1, k, n), lambda i, j: (i, 0, 0)),
            pl.BlockSpec((1, 1, n), lambda i, j: (i, 0, 0)),
        ],
        out_specs=pl.BlockSpec((1, mb, n), lambda i, j: (i, j, 0)),
        out_shape=jax.ShapeDtypeStruct((g, m, n), _BF if out_bf16 else _F32),
    )(xs, ws, bs.reshape(g, 1, n))


def _mm1(x, w, b, relu, out_bf16, mb=4096):
    return _mm(x[None], w[None], b[None], relu, out_bf16, mb)[0]



def _proj_body(a_ref, w_ref, b_ref, o_ref):
    y = jax.lax.dot(a_ref[:], w_ref[:], preferred_element_type=_F32)
    o_ref[:] = y + b_ref[:].reshape(1, -1)


def _proj(a, w, b):
    return pl.pallas_call(
        _proj_body,
        out_shape=jax.ShapeDtypeStruct((a.shape[0], w.shape[1]), _F32),
    )(a, w, b)



def _vq_body(z_ref, e_ref, zdec_ref, zfe_ref, df_ref, dr_ref):
    z = z_ref[:]
    zt4 = z.T.reshape(1, 8, 8, _B)

    def chunk(c, carry):
        ec = e_ref[pl.ds(c * 64, 64), :]
        ec4 = ec.reshape(64, 8, 8, 1)
        diff = ec4 - zt4
        q = diff * diff

        p = q[:, :, 0:4, :] + q[:, :, 4:8, :]
        p = p[:, :, 0:2, :] + p[:, :, 2:4, :]
        p = p[:, :, 0:1, :] + p[:, :, 1:2, :]
        acc = p[:, 0, 0, :]
        for t in range(1, 8):
            acc = acc + p[:, t, 0, :]
        df_ref[pl.ds(c * 64, 64), :] = acc

        gs = []
        for g in range(4):
            s = q[:, 2 * g, :, :] + q[:, 2 * g + 1, :, :]
            u = s[:, 0:4, :] + s[:, 4:8, :]
            u = u[:, 0:2, :] + u[:, 2:4, :]
            u = u[:, 0:1, :] + u[:, 1:2, :]
            gs.append(u[:, 0, :])
        accr = gs[0]
        for g in range(1, 4):
            accr = accr + gs[g]
        dr_ref[pl.ds(c * 64, 64), :] = accr
        return carry

    jax.lax.fori_loop(0, 16, chunk, 0)

    s2 = jnp.sqrt(dr_ref[:])
    big = jnp.int32(2**30)

    it2 = lax.broadcasted_iota(jnp.int32, (_ADIM, _B), 1)
    m2 = jnp.min(s2, axis=1, keepdims=True)
    idx2 = jnp.min(jnp.where(s2 == m2, it2, big), axis=1, keepdims=True)
    oh2 = (it2 == idx2).astype(_F32)
    zfe_ref[:] = jax.lax.dot(oh2, z, precision=jax.lax.Precision.HIGHEST,
                             preferred_element_type=_F32)

    s1 = jnp.sqrt(df_ref[:]).T
    it1 = lax.broadcasted_iota(jnp.int32, (_B, _ADIM), 1)
    m1 = jnp.min(s1, axis=1, keepdims=True)
    idx1 = jnp.min(jnp.where(s1 == m1, it1, big), axis=1, keepdims=True)
    oh1 = (it1 == idx1).astype(_F32)
    zdec_ref[:] = jax.lax.dot(oh1, e_ref[:], precision=jax.lax.Precision.HIGHEST,
                              preferred_element_type=_F32)


def _vq(z, e):
    return pl.pallas_call(
        _vq_body,
        out_shape=(jax.ShapeDtypeStruct((_B, _ZDIM), _F32),
                   jax.ShapeDtypeStruct((_ADIM, _ZDIM), _F32)),
        scratch_shapes=[pltpu.VMEM((_ADIM, _B), _F32),
                        pltpu.VMEM((_ADIM, _B), _F32)],
    )(z, e)



def _taps_s2(a):
    b, h, w, c = a.shape
    ho, wo = h // 2, w // 2
    ap = jnp.pad(a, ((0, 0), (1, 1), (1, 1), (0, 0)))
    ts = [ap[:, ky:ky + 2 * ho:2, kx:kx + 2 * wo:2, :]
          for ky in range(4) for kx in range(4)]
    x = jnp.stack(ts, axis=3)
    return x.reshape(b * ho * wo, 16 * c)


def _shift(a, dy, dx):
    b, h, w, c = a.shape
    ap = jnp.pad(a, ((0, 0), (1, 1), (1, 1), (0, 0)))
    return ap[:, 1 + dy:1 + dy + h, 1 + dx:1 + dx + w, :]


_PAR = ((0, 0), (0, 1), (1, 0), (1, 1))
_TAPK = {0: (3, 1), 1: (2, 0)}
_TAPD = {0: (-1, 0), 1: (0, 1)}


def _convt_x(a):
    b, h, w, c = a.shape
    xs = []
    for py, px in _PAR:
        dys, dxs = _TAPD[py], _TAPD[px]
        ts = [_shift(a, dy, dx) for dy in dys for dx in dxs]
        x = jnp.stack(ts, axis=-1)
        xs.append(x.reshape(b * h * w, c * 4))
    return jnp.stack(xs)


def _convt_w(w):
    ws = []
    for py, px in _PAR:
        kys, kxs = _TAPK[py], _TAPK[px]
        wp = w[:, :, kys, :][:, :, :, kxs]
        ws.append(wp.transpose(0, 2, 3, 1).reshape(-1, w.shape[1]))
    return jnp.stack(ws)


def _interleave(ys, b, h, w, o):
    arr = ys.reshape(2, 2, b, h, w, o)
    return arr.transpose(2, 5, 3, 0, 4, 1).reshape(b, o, 2 * h, 2 * w)



def kernel(x, ew1, eb1, ew2, eb2, ew3, eb3, ew4, eb4, ew5, eb5, ew6, eb6,
           embd, dw1, db1, dw2, db2, dw3, db3, dw4, db4, dw5, db5, dw6, db6):
    def _wconv(w):
        o = w.shape[0]
        return w.astype(_BF).transpose(2, 3, 1, 0).reshape(-1, o)

    a = x.astype(_BF).transpose(0, 2, 3, 1)
    y = _mm1(_taps_s2(a), _wconv(ew1), eb1, True, True)
    a = y.reshape(_B, 32, 32, 32)
    y = _mm1(_taps_s2(a), _wconv(ew2), eb2, True, True, mb=2048)
    a = y.reshape(_B, 16, 16, 32)
    y = _mm1(_taps_s2(a), _wconv(ew3), eb3, True, True)
    a = y.reshape(_B, 8, 8, 64)
    y = _mm1(_taps_s2(a), _wconv(ew4), eb4, True, True)
    a = y.reshape(_B, 4, 4, 64)
    a = a.reshape(_B, 1024)
    a = _mm1(a, _wconv(ew5), eb5, True, True)
    z_enc = _proj(a, ew6.reshape(64, 128).T, eb6)

    z_dec, z_enc_for_embd = _vq(z_enc, embd)

    d = _mm1(z_dec.astype(_BF), dw1.astype(_BF).reshape(128, 64).T, db1,
             True, True)
    d = _mm1(d, dw2.astype(_BF).reshape(128, 1024), jnp.repeat(db2, 16),
             True, True)
    d = d.reshape(_B, 64, 4, 4).transpose(0, 2, 3, 1)

    for w_, b_, relu_ in ((dw3, db3, True),
                          (dw4, db4, True),
                          (dw5, db5, True),
                          (dw6, db6, False)):
        b, h, wd, c = d.shape
        o = w_.shape[1]
        kidx = [3, 1, 2, 0]
        wsel = w_.astype(_BF)[:, :, kidx, :][:, :, :, kidx]
        wall = wsel.transpose(0, 2, 3, 1).reshape(c, 16 * o)
        u = _mm1(d.reshape(b * h * wd, c), wall,
                 jnp.zeros((16 * o,), _F32), False, False)
        u5 = u.reshape(b, h, wd, 4, 4, o)
        outs = []
        for py, px in _PAR:
            acc = None
            for sy in (0, 1):
                for sx in (0, 1):
                    cy, cx = py * 2 + sy, px * 2 + sx
                    t = _shift(u5[:, :, :, cy, cx, :],
                               _TAPD[py][sy], _TAPD[px][sx])
                    acc = t if acc is None else acc + t
            yp = acc + b_
            if relu_:
                yp = jnp.maximum(yp, 0.0)
            outs.append(yp)
        arr = jnp.stack(outs).reshape(2, 2, b, h, wd, o)
        if relu_:
            d = arr.transpose(2, 3, 0, 4, 1, 5).reshape(
                b, 2 * h, 2 * wd, o).astype(_BF)
        else:
            x_recon = arr.transpose(2, 5, 3, 0, 4, 1).reshape(
                b, o, 2 * h, 2 * wd)

    return (x_recon, z_enc, z_dec, z_enc_for_embd)

# --- scband reference (transcript-rebuilt; emitter-appended) ---
"""Pipeline reference for scband-vqvae-48000554500127 (READ-ONLY COPY).

The authoritative reference and input builder live on the scoring server;
editing this copy changes nothing except your own understanding.
"""

import jax
import jax.numpy as jnp
from jax import lax
import numpy as np

B = 256
NC = 3
Z_DIM = 64
A_DIM = 1024
NZ = 1

def _conv(x, w, b, s, p):
    y = lax.conv_general_dilated(x, w, (s, s), [(p, p), (p, p)], dimension_numbers=('NCHW', 'OIHW', 'NCHW'))
    return y + b.reshape(1, -1, 1, 1)

def _convT(x, w, b, s, p):
    # PyTorch ConvTranspose2d with weight layout (in, out, kH, kW)
    k = w.shape[2]
    wt = jnp.transpose(w[:, :, ::-1, ::-1], (1, 0, 2, 3))
    y = lax.conv_general_dilated(x, wt, (1, 1), [(k - 1 - p, k - 1 - p)] * 2, lhs_dilation=(s, s), dimension_numbers=('NCHW', 'OIHW', 'NCHW'))
    return y + b.reshape(1, -1, 1, 1)

def _find_nearest(q, t):
    d = jnp.sqrt(jnp.sum((q[:, None, :] - t[None, :, :]) ** 2, axis=2))
    idx = jnp.argmin(d, axis=1)
    return t[idx]

def setup_inputs(seed: int = 0):
    key = jax.random.key(seed)
    ks = jax.random.split(key, 30)
    def nrm(k, shape, scale=0.02):
        return jax.random.normal(k, shape, dtype=jnp.float32) * scale
    inp = {}
    inp['x'] = jax.random.normal(ks[0], (B, NC, 64, 64), dtype=jnp.float32)
    inp['ew1'] = nrm(ks[1], (32, NC, 4, 4)); inp['eb1'] = jnp.zeros((32,), jnp.float32)
    inp['ew2'] = nrm(ks[2], (32, 32, 4, 4)); inp['eb2'] = jnp.zeros((32,), jnp.float32)
    inp['ew3'] = nrm(ks[3], (64, 32, 4, 4)); inp['eb3'] = jnp.zeros((64,), jnp.float32)
    inp['ew4'] = nrm(ks[4], (64, 64, 4, 4)); inp['eb4'] = jnp.zeros((64,), jnp.float32)
    inp['ew5'] = nrm(ks[5], (128, 64, 4, 4)); inp['eb5'] = jnp.zeros((128,), jnp.float32)
    inp['ew6'] = nrm(ks[6], (NZ * Z_DIM, 128, 1, 1)); inp['eb6'] = jnp.zeros((NZ * Z_DIM,), jnp.float32)
    inp['embd'] = jax.random.normal(ks[7], (A_DIM, Z_DIM), dtype=jnp.float32)
    inp['dw1'] = nrm(ks[8], (128, NZ * Z_DIM, 1, 1)); inp['db1'] = jnp.zeros((128,), jnp.float32)
    inp['dw2'] = nrm(ks[9], (128, 64, 4, 4)); inp['db2'] = jnp.zeros((64,), jnp.float32)
    inp['dw3'] = nrm(ks[10], (64, 64, 4, 4)); inp['db3'] = jnp.zeros((64,), jnp.float32)
    inp['dw4'] = nrm(ks[11], (64, 32, 4, 4)); inp['db4'] = jnp.zeros((32,), jnp.float32)
    inp['dw5'] = nrm(ks[12], (32, 32, 4, 4)); inp['db5'] = jnp.zeros((32,), jnp.float32)
    inp['dw6'] = nrm(ks[13], (32, NC, 4, 4)); inp['db6'] = jnp.zeros((NC,), jnp.float32)
    return inp

def reference(x, ew1, eb1, ew2, eb2, ew3, eb3, ew4, eb4, ew5, eb5, ew6, eb6, embd, dw1, db1, dw2, db2, dw3, db3, dw4, db4, dw5, db5, dw6, db6):
    h = jax.nn.relu(_conv(x, ew1, eb1, 2, 1))
    h = jax.nn.relu(_conv(h, ew2, eb2, 2, 1))
    h = jax.nn.relu(_conv(h, ew3, eb3, 2, 1))
    h = jax.nn.relu(_conv(h, ew4, eb4, 2, 1))
    h = jax.nn.relu(_conv(h, ew5, eb5, 1, 0))
    z = _conv(h, ew6, eb6, 1, 0)
    z_enc = z[:, :, 0, 0]
    z_dec = _find_nearest(z_enc, embd)
    d = z_dec.reshape(-1, Z_DIM, 1, 1)
    d = jax.nn.relu(_conv(d, dw1, db1, 1, 0))
    d = jax.nn.relu(_convT(d, dw2, db2, 1, 0))
    d = jax.nn.relu(_convT(d, dw3, db3, 2, 1))
    d = jax.nn.relu(_convT(d, dw4, db4, 2, 1))
    d = jax.nn.relu(_convT(d, dw5, db5, 2, 1))
    x_recon = _convT(d, dw6, db6, 2, 1)
    z_enc_for_embd = _find_nearest(embd, z_enc)
    return (x_recon, z_enc, z_dec, z_enc_for_embd)

if __name__ == "__main__":
    import jax
    _d = setup_inputs()
    print(jax.jit(kernel)(*tuple(_d.values())))

</pallas_src>

<mosaic_0001>
module attributes {stable_mosaic.version = 14 : i64} {
  func.func @_mm_body(%arg0: i32, %arg1: i32, %arg2: memref<1x4096x48xbf16, #tpu.memory_space<vmem>>, %arg3: memref<1x48x32xbf16, #tpu.memory_space<vmem>>, %arg4: memref<1x1x32xf32, #tpu.memory_space<vmem>>, %arg5: memref<1x4096x32xbf16, #tpu.memory_space<vmem>>) attributes {dimension_semantics = [#tpu.dimension_semantics<arbitrary>, #tpu.dimension_semantics<arbitrary>], iteration_bounds = array<i64: 1, 64>, scalar_prefetch = 0 : i64, scratch_operands = 0 : i64, tpu.core_type = #tpu.core_type<tc>, window_params = [{transform_indices = @transform_0, window_bounds = array<i64: 1, 4096, 48>}, {transform_indices = @transform_1, window_bounds = array<i64: 1, 48, 32>}, {transform_indices = @transform_2, window_bounds = array<i64: 1, 1, 32>}, {transform_indices = @transform_3, window_bounds = array<i64: 1, 4096, 32>}]} {
    %get3A = arith.constant 0 : index
    %get3A_0 = arith.constant 0 : index
    %get3A_1 = arith.constant 0 : index
    %get3A_2 = vector.load %arg2[%get3A, %get3A_0, %get3A_1] : memref<1x4096x48xbf16, #tpu.memory_space<vmem>>, vector<1x4096x48xbf16>
    %get3A_3 = vector.shape_cast %get3A_2 : vector<1x4096x48xbf16> to vector<4096x48xbf16>
    %get3A_4 = arith.constant 0 : index
    %get3A_5 = arith.constant 0 : index
    %get3A_6 = arith.constant 0 : index
    %get3A_7 = vector.load %arg3[%get3A_4, %get3A_5, %get3A_6] : memref<1x48x32xbf16, #tpu.memory_space<vmem>>, vector<1x48x32xbf16>
    %get3A_8 = vector.shape_cast %get3A_7 : vector<1x48x32xbf16> to vector<48x32xbf16>
    %dot_general3A = arith.constant dense<0.000000e+00> : vector<4096x32xf32>
    %dot_general3A_9 = tpu.matmul %get3A_3, %get3A_8, %dot_general3A {dimension_numbers = #tpu.dot_dimension_numbers<[1], [0], [0], [1], [0, 0, 1, 1], [], []>, transpose_lhs_hint = false} : vector<4096x48xbf16>, vector<48x32xbf16>, vector<4096x32xf32> -> vector<4096x32xf32>
    %get3A_10 = arith.constant 0 : index
    %get3A_11 = arith.constant 0 : index
    %get3A_12 = arith.constant 0 : index
    %get3A_13 = vector.load %arg4[%get3A_10, %get3A_11, %get3A_12] : memref<1x1x32xf32, #tpu.memory_space<vmem>>, vector<1x1x32xf32>
    %get3A_14 = vector.shape_cast %get3A_13 : vector<1x1x32xf32> to vector<1x32xf32>
    %add3A = vector.broadcast %get3A_14 : vector<1x32xf32> to vector<4096x32xf32>
    %add3A_15 = arith.addf %dot_general3A_9, %add3A : vector<4096x32xf32>
    %max3A = arith.constant 0.000000e+00 : f32
    %max3A_16 = vector.broadcast %max3A : f32 to vector<4096x32xf32>
    %max3A_17 = arith.maximumf %add3A_15, %max3A_16 : vector<4096x32xf32>
    %convert_element_type3A = arith.truncf %max3A_17 : vector<4096x32xf32> to vector<4096x32xbf16>
    %swap3A = arith.constant 0 : index
    %swap3A_18 = arith.constant 0 : index
    %swap3A_19 = arith.constant 0 : index
    %swap3A_20 = vector.load %arg5[%swap3A, %swap3A_18, %swap3A_19] : memref<1x4096x32xbf16, #tpu.memory_space<vmem>>, vector<1x4096x32xbf16>
    %swap3A_21 = vector.shape_cast %swap3A_20 : vector<1x4096x32xbf16> to vector<4096x32xbf16>
    %swap3A_22 = vector.shape_cast %convert_element_type3A : vector<4096x32xbf16> to vector<1x4096x32xbf16>
    tpu.vector_store %arg5[%swap3A, %swap3A_18, %swap3A_19], %swap3A_22 {strides = array<i32>} : memref<1x4096x32xbf16, #tpu.memory_space<vmem>>, vector<1x4096x32xbf16>,
    return
  }
  func.func @transform_0(%arg0: i32, %arg1: i32) -> (i32, i32, i32) {
    %c0_i32 = arith.constant 0 : i32
    %c0_i32_0 = arith.constant 0 : i32
    return %arg0, %arg1, %c0_i32 : i32, i32, i32
  }
  func.func @transform_1(%arg0: i32, %arg1: i32) -> (i32, i32, i32) {
    %c0_i32 = arith.constant 0 : i32
    %c0_i32_0 = arith.constant 0 : i32
    %c0_i32_1 = arith.constant 0 : i32
    return %arg0, %c0_i32, %c0_i32_0 : i32, i32, i32
  }
  func.func @transform_2(%arg0: i32, %arg1: i32) -> (i32, i32, i32) {
    %c0_i32 = arith.constant 0 : i32
    %c0_i32_0 = arith.constant 0 : i32
    %c0_i32_1 = arith.constant 0 : i32
    return %arg0, %c0_i32, %c0_i32_0 : i32, i32, i32
  }
  func.func @transform_3(%arg0: i32, %arg1: i32) -> (i32, i32, i32) {
    %c0_i32 = arith.constant 0 : i32
    %c0_i32_0 = arith.constant 0 : i32
    return %arg0, %arg1, %c0_i32 : i32, i32, i32
  }
}

module attributes {stable_mosaic.version = 14 : i64} {
  func.func @_mm_body(%arg0: i32, %arg1: i32, %arg2: memref<1x2048x512xbf16, #tpu.memory_space<vmem>>, %arg3: memref<1x512x32xbf16, #tpu.memory_space<vmem>>, %arg4: memref<1x1x32xf32, #tpu.memory_space<vmem>>, %arg5: memref<1x2048x32xbf16, #tpu.memory_space<vmem>>) attributes {dimension_semantics = [#tpu.dimension_semantics<arbitrary>, #tpu.dimension_semantics<arbitrary>], iteration_bounds = array<i64: 1, 32>, scalar_prefetch = 0 : i64, scratch_operands = 0 : i64, tpu.core_type = #tpu.core_type<tc>, window_params = [{transform_indices = @transform_0, window_bounds = array<i64: 1, 2048, 512>}, {transform_indices = @transform_1, window_bounds = array<i64: 1, 512, 32>}, {transform_indices = @transform_2, window_bounds = array<i64: 1, 1, 32>}, {transform_indices = @transform_3, window_bounds = array<i64: 1, 2048, 32>}]} {
    %get3A = arith.constant 0 : index
    %get3A_0 = arith.constant 0 : index
    %get3A_1 = arith.constant 0 : index
    %get3A_2 = vector.load %arg2[%get3A, %get3A_0, %get3A_1] : memref<1x2048x512xbf16, #tpu.memory_space<vmem>>, vector<1x2048x512xbf16>
    %get3A_3 = vector.shape_cast %get3A_2 : vector<1x2048x512xbf16> to vector<2048x512xbf16>
    %get3A_4 = arith.constant 0 : index
    %get3A_5 = arith.constant 0 : index
    %get3A_6 = arith.constant 0 : index
    %get3A_7 = vector.load %arg3[%get3A_4, %get3A_5, %get3A_6] : memref<1x512x32xbf16, #tpu.memory_space<vmem>>, vector<1x512x32xbf16>
    %get3A_8 = vector.shape_cast %get3A_7 : vector<1x512x32xbf16> to vector<512x32xbf16>
    %dot_general3A = arith.constant dense<0.000000e+00> : vector<2048x32xf32>
    %dot_general3A_9 = tpu.matmul %get3A_3, %get3A_8, %dot_general3A {dimension_numbers = #tpu.dot_dimension_numbers<[1], [0], [0], [1], [0, 0, 1, 1], [], []>, transpose_lhs_hint = false} : vector<2048x512xbf16>, vector<512x32xbf16>, vector<2048x32xf32> -> vector<2048x32xf32>
    %get3A_10 = arith.constant 0 : index
    %get3A_11 = arith.constant 0 : index
    %get3A_12 = arith.constant 0 : index
    %get3A_13 = vector.load %arg4[%get3A_10, %get3A_11, %get3A_12] : memref<1x1x32xf32, #tpu.memory_space<vmem>>, vector<1x1x32xf32>
    %get3A_14 = vector.shape_cast %get3A_13 : vector<1x1x32xf32> to vector<1x32xf32>
    %add3A = vector.broadcast %get3A_14 : vector<1x32xf32> to vector<2048x32xf32>
    %add3A_15 = arith.addf %dot_general3A_9, %add3A : vector<2048x32xf32>
    %max3A = arith.constant 0.000000e+00 : f32
    %max3A_16 = vector.broadcast %max3A : f32 to vector<2048x32xf32>
    %max3A_17 = arith.maximumf %add3A_15, %max3A_16 : vector<2048x32xf32>
    %convert_element_type3A = arith.truncf %max3A_17 : vector<2048x32xf32> to vector<2048x32xbf16>
    %swap3A = arith.constant 0 : index
    %swap3A_18 = arith.constant 0 : index
    %swap3A_19 = arith.constant 0 : index
    %swap3A_20 = vector.load %arg5[%swap3A, %swap3A_18, %swap3A_19] : memref<1x2048x32xbf16, #tpu.memory_space<vmem>>, vector<1x2048x32xbf16>
    %swap3A_21 = vector.shape_cast %swap3A_20 : vector<1x2048x32xbf16> to vector<2048x32xbf16>
    %swap3A_22 = vector.shape_cast %convert_element_type3A : vector<2048x32xbf16> to vector<1x2048x32xbf16>
    tpu.vector_store %arg5[%swap3A, %swap3A_18, %swap3A_19], %swap3A_22 {strides = array<i32>} : memref<1x2048x32xbf16, #tpu.memory_space<vmem>>, vector<1x2048x32xbf16>,
    return
  }
  func.func @transform_0(%arg0: i32, %arg1: i32) -> (i32, i32, i32) {
    %c0_i32 = arith.constant 0 : i32
    %c0_i32_0 = arith.constant 0 : i32
    return %arg0, %arg1, %c0_i32 : i32, i32, i32
  }
  func.func @transform_1(%arg0: i32, %arg1: i32) -> (i32, i32, i32) {
    %c0_i32 = arith.constant 0 : i32
    %c0_i32_0 = arith.constant 0 : i32
    %c0_i32_1 = arith.constant 0 : i32
    return %arg0, %c0_i32, %c0_i32_0 : i32, i32, i32
  }
  func.func @transform_2(%arg0: i32, %arg1: i32) -> (i32, i32, i32) {
    %c0_i32 = arith.constant 0 : i32
    %c0_i32_0 = arith.constant 0 : i32
    %c0_i32_1 = arith.constant 0 : i32
    return %arg0, %c0_i32, %c0_i32_0 : i32, i32, i32
  }
  func.func @transform_3(%arg0: i32, %arg1: i32) -> (i32, i32, i32) {
    %c0_i32 = arith.constant 0 : i32
    %c0_i32_0 = arith.constant 0 : i32
    return %arg0, %arg1, %c0_i32 : i32, i32, i32
  }
}

module attributes {stable_mosaic.version = 14 : i64} {
  func.func @_mm_body(%arg0: i32, %arg1: i32, %arg2: memref<1x4096x512xbf16, #tpu.memory_space<vmem>>, %arg3: memref<1x512x64xbf16, #tpu.memory_space<vmem>>, %arg4: memref<1x1x64xf32, #tpu.memory_space<vmem>>, %arg5: memref<1x4096x64xbf16, #tpu.memory_space<vmem>>) attributes {dimension_semantics = [#tpu.dimension_semantics<arbitrary>, #tpu.dimension_semantics<arbitrary>], iteration_bounds = array<i64: 1, 4>, scalar_prefetch = 0 : i64, scratch_operands = 0 : i64, tpu.core_type = #tpu.core_type<tc>, window_params = [{transform_indices = @transform_0, window_bounds = array<i64: 1, 4096, 512>}, {transform_indices = @transform_1, window_bounds = array<i64: 1, 512, 64>}, {transform_indices = @transform_2, window_bounds = array<i64: 1, 1, 64>}, {transform_indices = @transform_3, window_bounds = array<i64: 1, 4096, 64>}]} {
    %get3A = arith.constant 0 : index
    %get3A_0 = arith.constant 0 : index
    %get3A_1 = arith.constant 0 : index
    %get3A_2 = vector.load %arg2[%get3A, %get3A_0, %get3A_1] : memref<1x4096x512xbf16, #tpu.memory_space<vmem>>, vector<1x4096x512xbf16>
    %get3A_3 = vector.shape_cast %get3A_2 : vector<1x4096x512xbf16> to vector<4096x512xbf16>
    %get3A_4 = arith.constant 0 : index
    %get3A_5 = arith.constant 0 : index
    %get3A_6 = arith.constant 0 : index
    %get3A_7 = vector.load %arg3[%get3A_4, %get3A_5, %get3A_6] : memref<1x512x64xbf16, #tpu.memory_space<vmem>>, vector<1x512x64xbf16>
    %get3A_8 = vector.shape_cast %get3A_7 : vector<1x512x64xbf16> to vector<512x64xbf16>
    %dot_general3A = arith.constant dense<0.000000e+00> : vector<4096x64xf32>
    %dot_general3A_9 = tpu.matmul %get3A_3, %get3A_8, %dot_general3A {dimension_numbers = #tpu.dot_dimension_numbers<[1], [0], [0], [1], [0, 0, 1, 1], [], []>, transpose_lhs_hint = false} : vector<4096x512xbf16>, vector<512x64xbf16>, vector<4096x64xf32> -> vector<4096x64xf32>
    %get3A_10 = arith.constant 0 : index
    %get3A_11 = arith.constant 0 : index
    %get3A_12 = arith.constant 0 : index
    %get3A_13 = vector.load %arg4[%get3A_10, %get3A_11, %get3A_12] : memref<1x1x64xf32, #tpu.memory_space<vmem>>, vector<1x1x64xf32>
    %get3A_14 = vector.shape_cast %get3A_13 : vector<1x1x64xf32> to vector<1x64xf32>
    %add3A = vector.broadcast %get3A_14 : vector<1x64xf32> to vector<4096x64xf32>
    %add3A_15 = arith.addf %dot_general3A_9, %add3A : vector<4096x64xf32>
    %max3A = arith.constant 0.000000e+00 : f32
    %max3A_16 = vector.broadcast %max3A : f32 to vector<4096x64xf32>
    %max3A_17 = arith.maximumf %add3A_15, %max3A_16 : vector<4096x64xf32>
    %convert_element_type3A = arith.truncf %max3A_17 : vector<4096x64xf32> to vector<4096x64xbf16>
    %swap3A = arith.constant 0 : index
    %swap3A_18 = arith.constant 0 : index
    %swap3A_19 = arith.constant 0 : index
    %swap3A_20 = vector.load %arg5[%swap3A, %swap3A_18, %swap3A_19] : memref<1x4096x64xbf16, #tpu.memory_space<vmem>>, vector<1x4096x64xbf16>
    %swap3A_21 = vector.shape_cast %swap3A_20 : vector<1x4096x64xbf16> to vector<4096x64xbf16>
    %swap3A_22 = vector.shape_cast %convert_element_type3A : vector<4096x64xbf16> to vector<1x4096x64xbf16>
    tpu.vector_store %arg5[%swap3A, %swap3A_18, %swap3A_19], %swap3A_22 {strides = array<i32>} : memref<1x4096x64xbf16, #tpu.memory_space<vmem>>, vector<1x4096x64xbf16>,
    return
  }
  func.func @transform_0(%arg0: i32, %arg1: i32) -> (i32, i32, i32) {
    %c0_i32 = arith.constant 0 : i32
    %c0_i32_0 = arith.constant 0 : i32
    return %arg0, %arg1, %c0_i32 : i32, i32, i32
  }
  func.func @transform_1(%arg0: i32, %arg1: i32) -> (i32, i32, i32) {
    %c0_i32 = arith.constant 0 : i32
    %c0_i32_0 = arith.constant 0 : i32
    %c0_i32_1 = arith.constant 0 : i32
    return %arg0, %c0_i32, %c0_i32_0 : i32, i32, i32
  }
  func.func @transform_2(%arg0: i32, %arg1: i32) -> (i32, i32, i32) {
    %c0_i32 = arith.constant 0 : i32
    %c0_i32_0 = arith.constant 0 : i32
    %c0_i32_1 = arith.constant 0 : i32
    return %arg0, %c0_i32, %c0_i32_0 : i32, i32, i32
  }
  func.func @transform_3(%arg0: i32, %arg1: i32) -> (i32, i32, i32) {
    %c0_i32 = arith.constant 0 : i32
    %c0_i32_0 = arith.constant 0 : i32
    return %arg0, %arg1, %c0_i32 : i32, i32, i32
  }
}

module attributes {stable_mosaic.version = 14 : i64} {
  func.func @_mm_body(%arg0: i32, %arg1: i32, %arg2: memref<1x4096x1024xbf16, #tpu.memory_space<vmem>>, %arg3: memref<1x1024x64xbf16, #tpu.memory_space<vmem>>, %arg4: memref<1x1x64xf32, #tpu.memory_space<vmem>>, %arg5: memref<1x4096x64xbf16, #tpu.memory_space<vmem>>) attributes {dimension_semantics = [#tpu.dimension_semantics<arbitrary>, #tpu.dimension_semantics<arbitrary>], iteration_bounds = array<i64: 1, 1>, scalar_prefetch = 0 : i64, scratch_operands = 0 : i64, tpu.core_type = #tpu.core_type<tc>, window_params = [{transform_indices = @transform_0, window_bounds = array<i64: 1, 4096, 1024>}, {transform_indices = @transform_1, window_bounds = array<i64: 1, 1024, 64>}, {transform_indices = @transform_2, window_bounds = array<i64: 1, 1, 64>}, {transform_indices = @transform_3, window_bounds = array<i64: 1, 4096, 64>}]} {
    %get3A = arith.constant 0 : index
    %get3A_0 = arith.constant 0 : index
    %get3A_1 = arith.constant 0 : index
    %get3A_2 = vector.load %arg2[%get3A, %get3A_0, %get3A_1] : memref<1x4096x1024xbf16, #tpu.memory_space<vmem>>, vector<1x4096x1024xbf16>
    %get3A_3 = vector.shape_cast %get3A_2 : vector<1x4096x1024xbf16> to vector<4096x1024xbf16>
    %get3A_4 = arith.constant 0 : index
    %get3A_5 = arith.constant 0 : index
    %get3A_6 = arith.constant 0 : index
    %get3A_7 = vector.load %arg3[%get3A_4, %get3A_5, %get3A_6] : memref<1x1024x64xbf16, #tpu.memory_space<vmem>>, vector<1x1024x64xbf16>
    %get3A_8 = vector.shape_cast %get3A_7 : vector<1x1024x64xbf16> to vector<1024x64xbf16>
    %dot_general3A = arith.constant dense<0.000000e+00> : vector<4096x64xf32>
    %dot_general3A_9 = tpu.matmul %get3A_3, %get3A_8, %dot_general3A {dimension_numbers = #tpu.dot_dimension_numbers<[1], [0], [0], [1], [0, 0, 1, 1], [], []>, transpose_lhs_hint = false} : vector<4096x1024xbf16>, vector<1024x64xbf16>, vector<4096x64xf32> -> vector<4096x64xf32>
    %get3A_10 = arith.constant 0 : index
    %get3A_11 = arith.constant 0 : index
    %get3A_12 = arith.constant 0 : index
    %get3A_13 = vector.load %arg4[%get3A_10, %get3A_11, %get3A_12] : memref<1x1x64xf32, #tpu.memory_space<vmem>>, vector<1x1x64xf32>
    %get3A_14 = vector.shape_cast %get3A_13 : vector<1x1x64xf32> to vector<1x64xf32>
    %add3A = vector.broadcast %get3A_14 : vector<1x64xf32> to vector<4096x64xf32>
    %add3A_15 = arith.addf %dot_general3A_9, %add3A : vector<4096x64xf32>
    %max3A = arith.constant 0.000000e+00 : f32
    %max3A_16 = vector.broadcast %max3A : f32 to vector<4096x64xf32>
    %max3A_17 = arith.maximumf %add3A_15, %max3A_16 : vector<4096x64xf32>
    %convert_element_type3A = arith.truncf %max3A_17 : vector<4096x64xf32> to vector<4096x64xbf16>
    %swap3A = arith.constant 0 : index
    %swap3A_18 = arith.constant 0 : index
    %swap3A_19 = arith.constant 0 : index
    %swap3A_20 = vector.load %arg5[%swap3A, %swap3A_18, %swap3A_19] : memref<1x4096x64xbf16, #tpu.memory_space<vmem>>, vector<1x4096x64xbf16>
    %swap3A_21 = vector.shape_cast %swap3A_20 : vector<1x4096x64xbf16> to vector<4096x64xbf16>
    %swap3A_22 = vector.shape_cast %convert_element_type3A : vector<4096x64xbf16> to vector<1x4096x64xbf16>
    tpu.vector_store %arg5[%swap3A, %swap3A_18, %swap3A_19], %swap3A_22 {strides = array<i32>} : memref<1x4096x64xbf16, #tpu.memory_space<vmem>>, vector<1x4096x64xbf16>,
    return
  }
  func.func @transform_0(%arg0: i32, %arg1: i32) -> (i32, i32, i32) {
    %c0_i32 = arith.constant 0 : i32
    %c0_i32_0 = arith.constant 0 : i32
    return %arg0, %arg1, %c0_i32 : i32, i32, i32
  }
  func.func @transform_1(%arg0: i32, %arg1: i32) -> (i32, i32, i32) {
    %c0_i32 = arith.constant 0 : i32
    %c0_i32_0 = arith.constant 0 : i32
    %c0_i32_1 = arith.constant 0 : i32
    return %arg0, %c0_i32, %c0_i32_0 : i32, i32, i32
  }
  func.func @transform_2(%arg0: i32, %arg1: i32) -> (i32, i32, i32) {
    %c0_i32 = arith.constant 0 : i32
    %c0_i32_0 = arith.constant 0 : i32
    %c0_i32_1 = arith.constant 0 : i32
    return %arg0, %c0_i32, %c0_i32_0 : i32, i32, i32
  }
  func.func @transform_3(%arg0: i32, %arg1: i32) -> (i32, i32, i32) {
    %c0_i32 = arith.constant 0 : i32
    %c0_i32_0 = arith.constant 0 : i32
    return %arg0, %arg1, %c0_i32 : i32, i32, i32
  }
}

module attributes {stable_mosaic.version = 14 : i64} {
  func.func @_mm_body(%arg0: i32, %arg1: i32, %arg2: memref<1x256x1024xbf16, #tpu.memory_space<vmem>>, %arg3: memref<1x1024x128xbf16, #tpu.memory_space<vmem>>, %arg4: memref<1x1x128xf32, #tpu.memory_space<vmem>>, %arg5: memref<1x256x128xbf16, #tpu.memory_space<vmem>>) attributes {dimension_semantics = [#tpu.dimension_semantics<arbitrary>, #tpu.dimension_semantics<arbitrary>], iteration_bounds = array<i64: 1, 1>, scalar_prefetch = 0 : i64, scratch_operands = 0 : i64, tpu.core_type = #tpu.core_type<tc>, window_params = [{transform_indices = @transform_0, window_bounds = array<i64: 1, 256, 1024>}, {transform_indices = @transform_1, window_bounds = array<i64: 1, 1024, 128>}, {transform_indices = @transform_2, window_bounds = array<i64: 1, 1, 128>}, {transform_indices = @transform_3, window_bounds = array<i64: 1, 256, 128>}]} {
    %get3A = arith.constant 0 : index
    %get3A_0 = arith.constant 0 : index
    %get3A_1 = arith.constant 0 : index
    %get3A_2 = vector.load %arg2[%get3A, %get3A_0, %get3A_1] : memref<1x256x1024xbf16, #tpu.memory_space<vmem>>, vector<1x256x1024xbf16>
    %get3A_3 = vector.shape_cast %get3A_2 : vector<1x256x1024xbf16> to vector<256x1024xbf16>
    %get3A_4 = arith.constant 0 : index
    %get3A_5 = arith.constant 0 : index
    %get3A_6 = arith.constant 0 : index
    %get3A_7 = vector.load %arg3[%get3A_4, %get3A_5, %get3A_6] : memref<1x1024x128xbf16, #tpu.memory_space<vmem>>, vector<1x1024x128xbf16>
    %get3A_8 = vector.shape_cast %get3A_7 : vector<1x1024x128xbf16> to vector<1024x128xbf16>
    %dot_general3A = arith.constant dense<0.000000e+00> : vector<256x128xf32>
    %dot_general3A_9 = tpu.matmul %get3A_3, %get3A_8, %dot_general3A {dimension_numbers = #tpu.dot_dimension_numbers<[1], [0], [0], [1], [0, 0, 1, 1], [], []>, transpose_lhs_hint = false} : vector<256x1024xbf16>, vector<1024x128xbf16>, vector<256x128xf32> -> vector<256x128xf32>
    %get3A_10 = arith.constant 0 : index
    %get3A_11 = arith.constant 0 : index
    %get3A_12 = arith.constant 0 : index
    %get3A_13 = vector.load %arg4[%get3A_10, %get3A_11, %get3A_12] : memref<1x1x128xf32, #tpu.memory_space<vmem>>, vector<1x1x128xf32>
    %get3A_14 = vector.shape_cast %get3A_13 : vector<1x1x128xf32> to vector<1x128xf32>
    %add3A = vector.broadcast %get3A_14 : vector<1x128xf32> to vector<256x128xf32>
    %add3A_15 = arith.addf %dot_general3A_9, %add3A : vector<256x128xf32>
    %max3A = arith.constant 0.000000e+00 : f32
    %max3A_16 = vector.broadcast %max3A : f32 to vector<256x128xf32>
    %max3A_17 = arith.maximumf %add3A_15, %max3A_16 : vector<256x128xf32>
    %convert_element_type3A = arith.truncf %max3A_17 : vector<256x128xf32> to vector<256x128xbf16>
    %swap3A = arith.constant 0 : index
    %swap3A_18 = arith.constant 0 : index
    %swap3A_19 = arith.constant 0 : index
    %swap3A_20 = vector.load %arg5[%swap3A, %swap3A_18, %swap3A_19] : memref<1x256x128xbf16, #tpu.memory_space<vmem>>, vector<1x256x128xbf16>
    %swap3A_21 = vector.shape_cast %swap3A_20 : vector<1x256x128xbf16> to vector<256x128xbf16>
    %swap3A_22 = vector.shape_cast %convert_element_type3A : vector<256x128xbf16> to vector<1x256x128xbf16>
    tpu.vector_store %arg5[%swap3A, %swap3A_18, %swap3A_19], %swap3A_22 {strides = array<i32>} : memref<1x256x128xbf16, #tpu.memory_space<vmem>>, vector<1x256x128xbf16>,
    return
  }
  func.func @transform_0(%arg0: i32, %arg1: i32) -> (i32, i32, i32) {
    %c0_i32 = arith.constant 0 : i32
    %c0_i32_0 = arith.constant 0 : i32
    return %arg0, %arg1, %c0_i32 : i32, i32, i32
  }
  func.func @transform_1(%arg0: i32, %arg1: i32) -> (i32, i32, i32) {
    %c0_i32 = arith.constant 0 : i32
    %c0_i32_0 = arith.constant 0 : i32
    %c0_i32_1 = arith.constant 0 : i32
    return %arg0, %c0_i32, %c0_i32_0 : i32, i32, i32
  }
  func.func @transform_2(%arg0: i32, %arg1: i32) -> (i32, i32, i32) {
    %c0_i32 = arith.constant 0 : i32
    %c0_i32_0 = arith.constant 0 : i32
    %c0_i32_1 = arith.constant 0 : i32
    return %arg0, %c0_i32, %c0_i32_0 : i32, i32, i32
  }
  func.func @transform_3(%arg0: i32, %arg1: i32) -> (i32, i32, i32) {
    %c0_i32 = arith.constant 0 : i32
    %c0_i32_0 = arith.constant 0 : i32
    return %arg0, %arg1, %c0_i32 : i32, i32, i32
  }
}

module attributes {stable_mosaic.version = 14 : i64} {
  func.func @_proj_body(%arg0: memref<256x128xbf16, #tpu.memory_space<vmem>>, %arg1: memref<128x64xf32, #tpu.memory_space<vmem>>, %arg2: memref<64xf32, #tpu.memory_space<vmem>>, %arg3: memref<256x64xf32, #tpu.memory_space<vmem>>) attributes {dimension_semantics = [], scalar_prefetch = 0 : i64, scratch_operands = 0 : i64, tpu.core_type = #tpu.core_type<tc>} {
    %get3A = arith.constant 0 : index
    %get3A_0 = arith.constant 0 : index
    %get3A_1 = vector.load %arg0[%get3A, %get3A_0] : memref<256x128xbf16, #tpu.memory_space<vmem>>, vector<256x128xbf16>
    %get3A_2 = arith.constant 0 : index
    %get3A_3 = arith.constant 0 : index
    %get3A_4 = vector.load %arg1[%get3A_2, %get3A_3] : memref<128x64xf32, #tpu.memory_space<vmem>>, vector<128x64xf32>
    %dot_general3A = arith.constant dense<0.000000e+00> : vector<256x64xf32>
    %dot_general3A_5 = tpu.matmul %get3A_1, %get3A_4, %dot_general3A {dimension_numbers = #tpu.dot_dimension_numbers<[1], [0], [0], [1], [0, 0, 1, 1], [], []>, transpose_lhs_hint = false} : vector<256x128xbf16>, vector<128x64xf32>, vector<256x64xf32> -> vector<256x64xf32>
    %get3A_6 = arith.constant 0 : index
    %get3A_7 = vector.load %arg2[%get3A_6] : memref<64xf32, #tpu.memory_space<vmem>>, vector<64xf32>
    %reshape3A = vector.shape_cast %get3A_7 : vector<64xf32> to vector<1x64xf32>
    %add3A = vector.broadcast %reshape3A : vector<1x64xf32> to vector<256x64xf32>
    %add3A_8 = arith.addf %dot_general3A_5, %add3A : vector<256x64xf32>
    %swap3A = arith.constant 0 : index
    %swap3A_9 = arith.constant 0 : index
    %swap3A_10 = vector.load %arg3[%swap3A, %swap3A_9] : memref<256x64xf32, #tpu.memory_space<vmem>>, vector<256x64xf32>
    tpu.vector_store %arg3[%swap3A, %swap3A_9], %add3A_8 {strides = array<i32>} : memref<256x64xf32, #tpu.memory_space<vmem>>, vector<256x64xf32>,
    return
  }
}

module attributes {stable_mosaic.version = 14 : i64} {
  func.func @_vq_body(%arg0: memref<256x64xf32, #tpu.memory_space<vmem>>, %arg1: memref<1024x64xf32, #tpu.memory_space<vmem>>, %arg2: memref<256x64xf32, #tpu.memory_space<vmem>>, %arg3: memref<1024x64xf32, #tpu.memory_space<vmem>>, %arg4: memref<1024x256xf32, #tpu.memory_space<vmem>>, %arg5: memref<1024x256xf32, #tpu.memory_space<vmem>>) attributes {dimension_semantics = [], scalar_prefetch = 0 : i64, scratch_operands = 2 : i64, tpu.core_type = #tpu.core_type<tc>} {
    %get3A = arith.constant 0 : index
    %get3A_0 = arith.constant 0 : index
    %get3A_1 = vector.load %arg0[%get3A, %get3A_0] : memref<256x64xf32, #tpu.memory_space<vmem>>, vector<256x64xf32>
    %transpose3A = tpu.transpose %get3A_1, [1, 0] : vector<256x64xf32> -> vector<64x256xf32>
    %reshape3A = vector.shape_cast %transpose3A : vector<64x256xf32> to vector<1x8x8x256xf32>
    %scan3A = arith.constant 0 : i32
    %scan3A_2 = arith.constant 16 : i32
    %scan3A_3 = arith.addi %scan3A, %scan3A_2 : i32
    %scan3A_4 = arith.constant 1 : i32
    scf.for %scan3A_50 = %scan3A to %scan3A_3 step %scan3A_4  : i32 {
      %mul3A = arith.constant 64 : i32
      %mul3A_51 = arith.muli %scan3A_50, %mul3A : i32
      %get3A_52 = arith.index_cast %mul3A_51 : i32 to index
      %get3A_53 = arith.constant 0 : index
      %get3A_54 = vector.load %arg1[%get3A_52, %get3A_53] : memref<1024x64xf32, #tpu.memory_space<vmem>>, vector<64x64xf32>
      %reshape3A_55 = vector.shape_cast %get3A_54 : vector<64x64xf32> to vector<64x8x8x1xf32>
      %sub3A = vector.broadcast %reshape3A_55 : vector<64x8x8x1xf32> to vector<64x8x8x256xf32>
      %sub3A_56 = vector.broadcast %reshape3A : vector<1x8x8x256xf32> to vector<64x8x8x256xf32>
      %sub3A_57 = arith.subf %sub3A, %sub3A_56 : vector<64x8x8x256xf32>
      %mul3A_58 = arith.mulf %sub3A_57, %sub3A_57 : vector<64x8x8x256xf32>
      %slice3A = vector.extract_strided_slice %mul3A_58 {offsets = [0, 0, 0, 0], sizes = [64, 8, 4, 256], strides = [1, 1, 1, 1]} : vector<64x8x8x256xf32> to vector<64x8x4x256xf32>
      %slice3A_59 = vector.extract_strided_slice %mul3A_58 {offsets = [0, 0, 4, 0], sizes = [64, 8, 4, 256], strides = [1, 1, 1, 1]} : vector<64x8x8x256xf32> to vector<64x8x4x256xf32>
      %add3A = arith.addf %slice3A, %slice3A_59 : vector<64x8x4x256xf32>
      %slice3A_60 = vector.extract_strided_slice %add3A {offsets = [0, 0, 0, 0], sizes = [64, 8, 2, 256], strides = [1, 1, 1, 1]} : vector<64x8x4x256xf32> to vector<64x8x2x256xf32>
      %slice3A_61 = vector.extract_strided_slice %add3A {offsets = [0, 0, 2, 0], sizes = [64, 8, 2, 256], strides = [1, 1, 1, 1]} : vector<64x8x4x256xf32> to vector<64x8x2x256xf32>
      %add3A_62 = arith.addf %slice3A_60, %slice3A_61 : vector<64x8x2x256xf32>
      %slice3A_63 = vector.extract_strided_slice %add3A_62 {offsets = [0, 0, 0, 0], sizes = [64, 8, 1, 256], strides = [1, 1, 1, 1]} : vector<64x8x2x256xf32> to vector<64x8x1x256xf32>
      %slice3A_64 = vector.extract_strided_slice %add3A_62 {offsets = [0, 0, 1, 0], sizes = [64, 8, 1, 256], strides = [1, 1, 1, 1]} : vector<64x8x2x256xf32> to vector<64x8x1x256xf32>
      %add3A_65 = arith.addf %slice3A_63, %slice3A_64 : vector<64x8x1x256xf32>
      %slice3A_66 = vector.extract_strided_slice %add3A_65 {offsets = [0, 0, 0, 0], sizes = [64, 1, 1, 256], strides = [1, 1, 1, 1]} : vector<64x8x1x256xf32> to vector<64x1x1x256xf32>
      %squeeze3A = vector.shape_cast %slice3A_66 : vector<64x1x1x256xf32> to vector<64x256xf32>
      %slice3A_67 = vector.extract_strided_slice %add3A_65 {offsets = [0, 1, 0, 0], sizes = [64, 1, 1, 256], strides = [1, 1, 1, 1]} : vector<64x8x1x256xf32> to vector<64x1x1x256xf32>
      %squeeze3A_68 = vector.shape_cast %slice3A_67 : vector<64x1x1x256xf32> to vector<64x256xf32>
      %add3A_69 = arith.addf %squeeze3A, %squeeze3A_68 : vector<64x256xf32>
      %slice3A_70 = vector.extract_strided_slice %add3A_65 {offsets = [0, 2, 0, 0], sizes = [64, 1, 1, 256], strides = [1, 1, 1, 1]} : vector<64x8x1x256xf32> to vector<64x1x1x256xf32>
      %squeeze3A_71 = vector.shape_cast %slice3A_70 : vector<64x1x1x256xf32> to vector<64x256xf32>
      %add3A_72 = arith.addf %add3A_69, %squeeze3A_71 : vector<64x256xf32>
      %slice3A_73 = vector.extract_strided_slice %add3A_65 {offsets = [0, 3, 0, 0], sizes = [64, 1, 1, 256], strides = [1, 1, 1, 1]} : vector<64x8x1x256xf32> to vector<64x1x1x256xf32>
      %squeeze3A_74 = vector.shape_cast %slice3A_73 : vector<64x1x1x256xf32> to vector<64x256xf32>
      %add3A_75 = arith.addf %add3A_72, %squeeze3A_74 : vector<64x256xf32>
      %slice3A_76 = vector.extract_strided_slice %add3A_65 {offsets = [0, 4, 0, 0], sizes = [64, 1, 1, 256], strides = [1, 1, 1, 1]} : vector<64x8x1x256xf32> to vector<64x1x1x256xf32>
      %squeeze3A_77 = vector.shape_cast %slice3A_76 : vector<64x1x1x256xf32> to vector<64x256xf32>
      %add3A_78 = arith.addf %add3A_75, %squeeze3A_77 : vector<64x256xf32>
      %slice3A_79 = vector.extract_strided_slice %add3A_65 {offsets = [0, 5, 0, 0], sizes = [64, 1, 1, 256], strides = [1, 1, 1, 1]} : vector<64x8x1x256xf32> to vector<64x1x1x256xf32>
      %squeeze3A_80 = vector.shape_cast %slice3A_79 : vector<64x1x1x256xf32> to vector<64x256xf32>
      %add3A_81 = arith.addf %add3A_78, %squeeze3A_80 : vector<64x256xf32>
      %slice3A_82 = vector.extract_strided_slice %add3A_65 {offsets = [0, 6, 0, 0], sizes = [64, 1, 1, 256], strides = [1, 1, 1, 1]} : vector<64x8x1x256xf32> to vector<64x1x1x256xf32>
      %squeeze3A_83 = vector.shape_cast %slice3A_82 : vector<64x1x1x256xf32> to vector<64x256xf32>
      %add3A_84 = arith.addf %add3A_81, %squeeze3A_83 : vector<64x256xf32>
      %slice3A_85 = vector.extract_strided_slice %add3A_65 {offsets = [0, 7, 0, 0], sizes = [64, 1, 1, 256], strides = [1, 1, 1, 1]} : vector<64x8x1x256xf32> to vector<64x1x1x256xf32>
      %squeeze3A_86 = vector.shape_cast %slice3A_85 : vector<64x1x1x256xf32> to vector<64x256xf32>
      %add3A_87 = arith.addf %add3A_84, %squeeze3A_86 : vector<64x256xf32>
      %mul3A_88 = arith.constant 64 : i32
      %mul3A_89 = arith.muli %scan3A_50, %mul3A_88 : i32
      %swap3A_90 = arith.index_cast %mul3A_89 : i32 to index
      %swap3A_91 = arith.constant 0 : index
      %swap3A_92 = vector.load %arg4[%swap3A_90, %swap3A_91] : memref<1024x256xf32, #tpu.memory_space<vmem>>, vector<64x256xf32>
      tpu.vector_store %arg4[%swap3A_90, %swap3A_91], %add3A_87 {strides = array<i32>} : memref<1024x256xf32, #tpu.memory_space<vmem>>, vector<64x256xf32>,
      %slice3A_93 = vector.extract_strided_slice %mul3A_58 {offsets = [0, 0, 0, 0], sizes = [64, 1, 8, 256], strides = [1, 1, 1, 1]} : vector<64x8x8x256xf32> to vector<64x1x8x256xf32>
      %squeeze3A_94 = vector.shape_cast %slice3A_93 : vector<64x1x8x256xf32> to vector<64x8x256xf32>
      %slice3A_95 = vector.extract_strided_slice %mul3A_58 {offsets = [0, 1, 0, 0], sizes = [64, 1, 8, 256], strides = [1, 1, 1, 1]} : vector<64x8x8x256xf32> to vector<64x1x8x256xf32>
      %squeeze3A_96 = vector.shape_cast %slice3A_95 : vector<64x1x8x256xf32> to vector<64x8x256xf32>
      %add3A_97 = arith.addf %squeeze3A_94, %squeeze3A_96 : vector<64x8x256xf32>
      %slice3A_98 = vector.extract_strided_slice %add3A_97 {offsets = [0, 0, 0], sizes = [64, 4, 256], strides = [1, 1, 1]} : vector<64x8x256xf32> to vector<64x4x256xf32>
      %slice3A_99 = vector.extract_strided_slice %add3A_97 {offsets = [0, 4, 0], sizes = [64, 4, 256], strides = [1, 1, 1]} : vector<64x8x256xf32> to vector<64x4x256xf32>
      %add3A_100 = arith.addf %slice3A_98, %slice3A_99 : vector<64x4x256xf32>
      %slice3A_101 = vector.extract_strided_slice %add3A_100 {offsets = [0, 0, 0], sizes = [64, 2, 256], strides = [1, 1, 1]} : vector<64x4x256xf32> to vector<64x2x256xf32>
      %slice3A_102 = vector.extract_strided_slice %add3A_100 {offsets = [0, 2, 0], sizes = [64, 2, 256], strides = [1, 1, 1]} : vector<64x4x256xf32> to vector<64x2x256xf32>
      %add3A_103 = arith.addf %slice3A_101, %slice3A_102 : vector<64x2x256xf32>
      %slice3A_104 = vector.extract_strided_slice %add3A_103 {offsets = [0, 0, 0], sizes = [64, 1, 256], strides = [1, 1, 1]} : vector<64x2x256xf32> to vector<64x1x256xf32>
      %slice3A_105 = vector.extract_strided_slice %add3A_103 {offsets = [0, 1, 0], sizes = [64, 1, 256], strides = [1, 1, 1]} : vector<64x2x256xf32> to vector<64x1x256xf32>
      %add3A_106 = arith.addf %slice3A_104, %slice3A_105 : vector<64x1x256xf32>
      %squeeze3A_107 = vector.shape_cast %add3A_106 : vector<64x1x256xf32> to vector<64x256xf32>
      %slice3A_108 = vector.extract_strided_slice %mul3A_58 {offsets = [0, 2, 0, 0], sizes = [64, 1, 8, 256], strides = [1, 1, 1, 1]} : vector<64x8x8x256xf32> to vector<64x1x8x256xf32>
      %squeeze3A_109 = vector.shape_cast %slice3A_108 : vector<64x1x8x256xf32> to vector<64x8x256xf32>
      %slice3A_110 = vector.extract_strided_slice %mul3A_58 {offsets = [0, 3, 0, 0], sizes = [64, 1, 8, 256], strides = [1, 1, 1, 1]} : vector<64x8x8x256xf32> to vector<64x1x8x256xf32>
      %squeeze3A_111 = vector.shape_cast %slice3A_110 : vector<64x1x8x256xf32> to vector<64x8x256xf32>
      %add3A_112 = arith.addf %squeeze3A_109, %squeeze3A_111 : vector<64x8x256xf32>
      %slice3A_113 = vector.extract_strided_slice %add3A_112 {offsets = [0, 0, 0], sizes = [64, 4, 256], strides = [1, 1, 1]} : vector<64x8x256xf32> to vector<64x4x256xf32>
      %slice3A_114 = vector.extract_strided_slice %add3A_112 {offsets = [0, 4, 0], sizes = [64, 4, 256], strides = [1, 1, 1]} : vector<64x8x256xf32> to vector<64x4x256xf32>
      %add3A_115 = arith.addf %slice3A_113, %slice3A_114 : vector<64x4x256xf32>
      %slice3A_116 = vector.extract_strided_slice %add3A_115 {offsets = [0, 0, 0], sizes = [64, 2, 256], strides = [1, 1, 1]} : vector<64x4x256xf32> to vector<64x2x256xf32>
      %slice3A_117 = vector.extract_strided_slice %add3A_115 {offsets = [0, 2, 0], sizes = [64, 2, 256], strides = [1, 1, 1]} : vector<64x4x256xf32> to vector<64x2x256xf32>
      %add3A_118 = arith.addf %slice3A_116, %slice3A_117 : vector<64x2x256xf32>
      %slice3A_119 = vector.extract_strided_slice %add3A_118 {offsets = [0, 0, 0], sizes = [64, 1, 256], strides = [1, 1, 1]} : vector<64x2x256xf32> to vector<64x1x256xf32>
      %slice3A_120 = vector.extract_strided_slice %add3A_118 {offsets = [0, 1, 0], sizes = [64, 1, 256], strides = [1, 1, 1]} : vector<64x2x256xf32> to vector<64x1x256xf32>
      %add3A_121 = arith.addf %slice3A_119, %slice3A_120 : vector<64x1x256xf32>
      %squeeze3A_122 = vector.shape_cast %add3A_121 : vector<64x1x256xf32> to vector<64x256xf32>
      %slice3A_123 = vector.extract_strided_slice %mul3A_58 {offsets = [0, 4, 0, 0], sizes = [64, 1, 8, 256], strides = [1, 1, 1, 1]} : vector<64x8x8x256xf32> to vector<64x1x8x256xf32>
      %squeeze3A_124 = vector.shape_cast %slice3A_123 : vector<64x1x8x256xf32> to vector<64x8x256xf32>
      %slice3A_125 = vector.extract_strided_slice %mul3A_58 {offsets = [0, 5, 0, 0], sizes = [64, 1, 8, 256], strides = [1, 1, 1, 1]} : vector<64x8x8x256xf32> to vector<64x1x8x256xf32>
      %squeeze3A_126 = vector.shape_cast %slice3A_125 : vector<64x1x8x256xf32> to vector<64x8x256xf32>
      %add3A_127 = arith.addf %squeeze3A_124, %squeeze3A_126 : vector<64x8x256xf32>
      %slice3A_128 = vector.extract_strided_slice %add3A_127 {offsets = [0, 0, 0], sizes = [64, 4, 256], strides = [1, 1, 1]} : vector<64x8x256xf32> to vector<64x4x256xf32>
      %slice3A_129 = vector.extract_strided_slice %add3A_127 {offsets = [0, 4, 0], sizes = [64, 4, 256], strides = [1, 1, 1]} : vector<64x8x256xf32> to vector<64x4x256xf32>
      %add3A_130 = arith.addf %slice3A_128, %slice3A_129 : vector<64x4x256xf32>
      %slice3A_131 = vector.extract_strided_slice %add3A_130 {offsets = [0, 0, 0], sizes = [64, 2, 256], strides = [1, 1, 1]} : vector<64x4x256xf32> to vector<64x2x256xf32>
      %slice3A_132 = vector.extract_strided_slice %add3A_130 {offsets = [0, 2, 0], sizes = [64, 2, 256], strides = [1, 1, 1]} : vector<64x4x256xf32> to vector<64x2x256xf32>
      %add3A_133 = arith.addf %slice3A_131, %slice3A_132 : vector<64x2x256xf32>
      %slice3A_134 = vector.extract_strided_slice %add3A_133 {offsets = [0, 0, 0], sizes = [64, 1, 256], strides = [1, 1, 1]} : vector<64x2x256xf32> to vector<64x1x256xf32>
      %slice3A_135 = vector.extract_strided_slice %add3A_133 {offsets = [0, 1, 0], sizes = [64, 1, 256], strides = [1, 1, 1]} : vector<64x2x256xf32> to vector<64x1x256xf32>
      %add3A_136 = arith.addf %slice3A_134, %slice3A_135 : vector<64x1x256xf32>
      %squeeze3A_137 = vector.shape_cast %add3A_136 : vector<64x1x256xf32> to vector<64x256xf32>
      %slice3A_138 = vector.extract_strided_slice %mul3A_58 {offsets = [0, 6, 0, 0], sizes = [64, 1, 8, 256], strides = [1, 1, 1, 1]} : vector<64x8x8x256xf32> to vector<64x1x8x256xf32>
      %squeeze3A_139 = vector.shape_cast %slice3A_138 : vector<64x1x8x256xf32> to vector<64x8x256xf32>
      %slice3A_140 = vector.extract_strided_slice %mul3A_58 {offsets = [0, 7, 0, 0], sizes = [64, 1, 8, 256], strides = [1, 1, 1, 1]} : vector<64x8x8x256xf32> to vector<64x1x8x256xf32>
      %squeeze3A_141 = vector.shape_cast %slice3A_140 : vector<64x1x8x256xf32> to vector<64x8x256xf32>
      %add3A_142 = arith.addf %squeeze3A_139, %squeeze3A_141 : vector<64x8x256xf32>
      %slice3A_143 = vector.extract_strided_slice %add3A_142 {offsets = [0, 0, 0], sizes = [64, 4, 256], strides = [1, 1, 1]} : vector<64x8x256xf32> to vector<64x4x256xf32>
      %slice3A_144 = vector.extract_strided_slice %add3A_142 {offsets = [0, 4, 0], sizes = [64, 4, 256], strides = [1, 1, 1]} : vector<64x8x256xf32> to vector<64x4x256xf32>
      %add3A_145 = arith.addf %slice3A_143, %slice3A_144 : vector<64x4x256xf32>
      %slice3A_146 = vector.extract_strided_slice %add3A_145 {offsets = [0, 0, 0], sizes = [64, 2, 256], strides = [1, 1, 1]} : vector<64x4x256xf32> to vector<64x2x256xf32>
      %slice3A_147 = vector.extract_strided_slice %add3A_145 {offsets = [0, 2, 0], sizes = [64, 2, 256], strides = [1, 1, 1]} : vector<64x4x256xf32> to vector<64x2x256xf32>
      %add3A_148 = arith.addf %slice3A_146, %slice3A_147 : vector<64x2x256xf32>
      %slice3A_149 = vector.extract_strided_slice %add3A_148 {offsets = [0, 0, 0], sizes = [64, 1, 256], strides = [1, 1, 1]} : vector<64x2x256xf32> to vector<64x1x256xf32>
      %slice3A_150 = vector.extract_strided_slice %add3A_148 {offsets = [0, 1, 0], sizes = [64, 1, 256], strides = [1, 1, 1]} : vector<64x2x256xf32> to vector<64x1x256xf32>
      %add3A_151 = arith.addf %slice3A_149, %slice3A_150 : vector<64x1x256xf32>
      %squeeze3A_152 = vector.shape_cast %add3A_151 : vector<64x1x256xf32> to vector<64x256xf32>
      %add3A_153 = arith.addf %squeeze3A_107, %squeeze3A_122 : vector<64x256xf32>
      %add3A_154 = arith.addf %add3A_153, %squeeze3A_137 : vector<64x256xf32>
      %add3A_155 = arith.addf %add3A_154, %squeeze3A_152 : vector<64x256xf32>
      %mul3A_156 = arith.constant 64 : i32
      %mul3A_157 = arith.muli %scan3A_50, %mul3A_156 : i32
      %swap3A_158 = arith.index_cast %mul3A_157 : i32 to index
      %swap3A_159 = arith.constant 0 : index
      %swap3A_160 = vector.load %arg5[%swap3A_158, %swap3A_159] : memref<1024x256xf32, #tpu.memory_space<vmem>>, vector<64x256xf32>
      tpu.vector_store %arg5[%swap3A_158, %swap3A_159], %add3A_155 {strides = array<i32>} : memref<1024x256xf32, #tpu.memory_space<vmem>>, vector<64x256xf32>,
    }
    %scan3A_5 = arith.constant 16 : i32
    %get3A_6 = arith.constant 0 : index
    %get3A_7 = arith.constant 0 : index
    %get3A_8 = vector.load %arg5[%get3A_6, %get3A_7] : memref<1024x256xf32, #tpu.memory_space<vmem>>, vector<1024x256xf32>
    %sqrt3A = math.sqrt %get3A_8 : vector<1024x256xf32>
    %iota3A = tpu.iota {dimensions = array<i32: 1>} : vector<1024x256xi32>
    %reduce_min3A = arith.constant dense<0x7F800000> : vector<1024xf32>
    %reduce_min3A_9 = vector.multi_reduction <minimumf>, %sqrt3A, %reduce_min3A [1] : vector<1024x256xf32> to vector<1024xf32>
    %broadcast_in_dim3A = vector.shape_cast %reduce_min3A_9 : vector<1024xf32> to vector<1024x1xf32>
    %eq3A = vector.broadcast %broadcast_in_dim3A : vector<1024x1xf32> to vector<1024x256xf32>
    %eq3A_10 = arith.cmpf oeq, %sqrt3A, %eq3A : vector<1024x256xf32>
    %jit3A = arith.constant 1073741824 : i32
    %broadcast_in_dim3A_11 = vector.broadcast %jit3A : i32 to vector<1024x256xi32>
    %select_n3A = arith.select %eq3A_10, %iota3A, %broadcast_in_dim3A_11 : vector<1024x256xi1>, vector<1024x256xi32>
    %reduce_min3A_12 = arith.constant dense<2147483647> : vector<1024xi32>
    %reduce_min3A_13 = vector.multi_reduction <minsi>, %select_n3A, %reduce_min3A_12 [1] : vector<1024x256xi32> to vector<1024xi32>
    %broadcast_in_dim3A_14 = vector.shape_cast %reduce_min3A_13 : vector<1024xi32> to vector<1024x1xi32>
    %eq3A_15 = vector.broadcast %broadcast_in_dim3A_14 : vector<1024x1xi32> to vector<1024x256xi32>
    %eq3A_16 = arith.cmpi eq, %iota3A, %eq3A_15 : vector<1024x256xi32>
    %convert_element_type3A = arith.extui %eq3A_16 : vector<1024x256xi1> to vector<1024x256xi32>
    %convert_element_type3A_17 = arith.sitofp %convert_element_type3A : vector<1024x256xi32> to vector<1024x256xf32>
    %dot_general3A = arith.constant dense<0.000000e+00> : vector<1024x64xf32>
    %dot_general3A_18 = tpu.matmul %convert_element_type3A_17, %get3A_1, %dot_general3A {dimension_numbers = #tpu.dot_dimension_numbers<[1], [0], [0], [1], [0, 0, 1, 1], [], []>, precision = #tpu.contract_precision<fp32>, transpose_lhs_hint = false} : vector<1024x256xf32>, vector<256x64xf32>, vector<1024x64xf32> -> vector<1024x64xf32>
    %swap3A = arith.constant 0 : index
    %swap3A_19 = arith.constant 0 : index
    %swap3A_20 = vector.load %arg3[%swap3A, %swap3A_19] : memref<1024x64xf32, #tpu.memory_space<vmem>>, vector<1024x64xf32>
    tpu.vector_store %arg3[%swap3A, %swap3A_19], %dot_general3A_18 {strides = array<i32>} : memref<1024x64xf32, #tpu.memory_space<vmem>>, vector<1024x64xf32>,
    %get3A_21 = arith.constant 0 : index
    %get3A_22 = arith.constant 0 : index
    %get3A_23 = vector.load %arg4[%get3A_21, %get3A_22] : memref<1024x256xf32, #tpu.memory_space<vmem>>, vector<1024x256xf32>
    %sqrt3A_24 = math.sqrt %get3A_23 : vector<1024x256xf32>
    %transpose3A_25 = tpu.transpose %sqrt3A_24, [1, 0] : vector<1024x256xf32> -> vector<256x1024xf32>
    %iota3A_26 = tpu.iota {dimensions = array<i32: 1>} : vector<256x1024xi32>
    %reduce_min3A_27 = arith.constant dense<0x7F800000> : vector<256xf32>
    %reduce_min3A_28 = vector.multi_reduction <minimumf>, %transpose3A_25, %reduce_min3A_27 [1] : vector<256x1024xf32> to vector<256xf32>
    %broadcast_in_dim3A_29 = vector.shape_cast %reduce_min3A_28 : vector<256xf32> to vector<256x1xf32>
    %eq3A_30 = vector.broadcast %broadcast_in_dim3A_29 : vector<256x1xf32> to vector<256x1024xf32>
    %eq3A_31 = arith.cmpf oeq, %transpose3A_25, %eq3A_30 : vector<256x1024xf32>
    %jit3A_32 = arith.constant 1073741824 : i32
    %broadcast_in_dim3A_33 = vector.broadcast %jit3A_32 : i32 to vector<256x1024xi32>
    %select_n3A_34 = arith.select %eq3A_31, %iota3A_26, %broadcast_in_dim3A_33 : vector<256x1024xi1>, vector<256x1024xi32>
    %reduce_min3A_35 = arith.constant dense<2147483647> : vector<256xi32>
    %reduce_min3A_36 = vector.multi_reduction <minsi>, %select_n3A_34, %reduce_min3A_35 [1] : vector<256x1024xi32> to vector<256xi32>
    %broadcast_in_dim3A_37 = vector.shape_cast %reduce_min3A_36 : vector<256xi32> to vector<256x1xi32>
    %eq3A_38 = vector.broadcast %broadcast_in_dim3A_37 : vector<256x1xi32> to vector<256x1024xi32>
    %eq3A_39 = arith.cmpi eq, %iota3A_26, %eq3A_38 : vector<256x1024xi32>
    %convert_element_type3A_40 = arith.extui %eq3A_39 : vector<256x1024xi1> to vector<256x1024xi32>
    %convert_element_type3A_41 = arith.sitofp %convert_element_type3A_40 : vector<256x1024xi32> to vector<256x1024xf32>
    %get3A_42 = arith.constant 0 : index
    %get3A_43 = arith.constant 0 : index
    %get3A_44 = vector.load %arg1[%get3A_42, %get3A_43] : memref<1024x64xf32, #tpu.memory_space<vmem>>, vector<1024x64xf32>
    %dot_general3A_45 = arith.constant dense<0.000000e+00> : vector<256x64xf32>
    %dot_general3A_46 = tpu.matmul %convert_element_type3A_41, %get3A_44, %dot_general3A_45 {dimension_numbers = #tpu.dot_dimension_numbers<[1], [0], [0], [1], [0, 0, 1, 1], [], []>, precision = #tpu.contract_precision<fp32>, transpose_lhs_hint = false} : vector<256x1024xf32>, vector<1024x64xf32>, vector<256x64xf32> -> vector<256x64xf32>
    %swap3A_47 = arith.constant 0 : index
    %swap3A_48 = arith.constant 0 : index
    %swap3A_49 = vector.load %arg2[%swap3A_47, %swap3A_48] : memref<256x64xf32, #tpu.memory_space<vmem>>, vector<256x64xf32>
    tpu.vector_store %arg2[%swap3A_47, %swap3A_48], %dot_general3A_46 {strides = array<i32>} : memref<256x64xf32, #tpu.memory_space<vmem>>, vector<256x64xf32>,
    return
  }
}

module attributes {stable_mosaic.version = 14 : i64} {
  func.func @_mm_body(%arg0: i32, %arg1: i32, %arg2: memref<1x256x64xbf16, #tpu.memory_space<vmem>>, %arg3: memref<1x64x128xbf16, #tpu.memory_space<vmem>>, %arg4: memref<1x1x128xf32, #tpu.memory_space<vmem>>, %arg5: memref<1x256x128xbf16, #tpu.memory_space<vmem>>) attributes {dimension_semantics = [#tpu.dimension_semantics<arbitrary>, #tpu.dimension_semantics<arbitrary>], iteration_bounds = array<i64: 1, 1>, scalar_prefetch = 0 : i64, scratch_operands = 0 : i64, tpu.core_type = #tpu.core_type<tc>, window_params = [{transform_indices = @transform_0, window_bounds = array<i64: 1, 256, 64>}, {transform_indices = @transform_1, window_bounds = array<i64: 1, 64, 128>}, {transform_indices = @transform_2, window_bounds = array<i64: 1, 1, 128>}, {transform_indices = @transform_3, window_bounds = array<i64: 1, 256, 128>}]} {
    %get3A = arith.constant 0 : index
    %get3A_0 = arith.constant 0 : index
    %get3A_1 = arith.constant 0 : index
    %get3A_2 = vector.load %arg2[%get3A, %get3A_0, %get3A_1] : memref<1x256x64xbf16, #tpu.memory_space<vmem>>, vector<1x256x64xbf16>
    %get3A_3 = vector.shape_cast %get3A_2 : vector<1x256x64xbf16> to vector<256x64xbf16>
    %get3A_4 = arith.constant 0 : index
    %get3A_5 = arith.constant 0 : index
    %get3A_6 = arith.constant 0 : index
    %get3A_7 = vector.load %arg3[%get3A_4, %get3A_5, %get3A_6] : memref<1x64x128xbf16, #tpu.memory_space<vmem>>, vector<1x64x128xbf16>
    %get3A_8 = vector.shape_cast %get3A_7 : vector<1x64x128xbf16> to vector<64x128xbf16>
    %dot_general3A = arith.constant dense<0.000000e+00> : vector<256x128xf32>
    %dot_general3A_9 = tpu.matmul %get3A_3, %get3A_8, %dot_general3A {dimension_numbers = #tpu.dot_dimension_numbers<[1], [0], [0], [1], [0, 0, 1, 1], [], []>, transpose_lhs_hint = false} : vector<256x64xbf16>, vector<64x128xbf16>, vector<256x128xf32> -> vector<256x128xf32>
    %get3A_10 = arith.constant 0 : index
    %get3A_11 = arith.constant 0 : index
    %get3A_12 = arith.constant 0 : index
    %get3A_13 = vector.load %arg4[%get3A_10, %get3A_11, %get3A_12] : memref<1x1x128xf32, #tpu.memory_space<vmem>>, vector<1x1x128xf32>
    %get3A_14 = vector.shape_cast %get3A_13 : vector<1x1x128xf32> to vector<1x128xf32>
    %add3A = vector.broadcast %get3A_14 : vector<1x128xf32> to vector<256x128xf32>
    %add3A_15 = arith.addf %dot_general3A_9, %add3A : vector<256x128xf32>
    %max3A = arith.constant 0.000000e+00 : f32
    %max3A_16 = vector.broadcast %max3A : f32 to vector<256x128xf32>
    %max3A_17 = arith.maximumf %add3A_15, %max3A_16 : vector<256x128xf32>
    %convert_element_type3A = arith.truncf %max3A_17 : vector<256x128xf32> to vector<256x128xbf16>
    %swap3A = arith.constant 0 : index
    %swap3A_18 = arith.constant 0 : index
    %swap3A_19 = arith.constant 0 : index
    %swap3A_20 = vector.load %arg5[%swap3A, %swap3A_18, %swap3A_19] : memref<1x256x128xbf16, #tpu.memory_space<vmem>>, vector<1x256x128xbf16>
    %swap3A_21 = vector.shape_cast %swap3A_20 : vector<1x256x128xbf16> to vector<256x128xbf16>
    %swap3A_22 = vector.shape_cast %convert_element_type3A : vector<256x128xbf16> to vector<1x256x128xbf16>
    tpu.vector_store %arg5[%swap3A, %swap3A_18, %swap3A_19], %swap3A_22 {strides = array<i32>} : memref<1x256x128xbf16, #tpu.memory_space<vmem>>, vector<1x256x128xbf16>,
    return
  }
  func.func @transform_0(%arg0: i32, %arg1: i32) -> (i32, i32, i32) {
    %c0_i32 = arith.constant 0 : i32
    %c0_i32_0 = arith.constant 0 : i32
    return %arg0, %arg1, %c0_i32 : i32, i32, i32
  }
  func.func @transform_1(%arg0: i32, %arg1: i32) -> (i32, i32, i32) {
    %c0_i32 = arith.constant 0 : i32
    %c0_i32_0 = arith.constant 0 : i32
    %c0_i32_1 = arith.constant 0 : i32
    return %arg0, %c0_i32, %c0_i32_0 : i32, i32, i32
  }
  func.func @transform_2(%arg0: i32, %arg1: i32) -> (i32, i32, i32) {
    %c0_i32 = arith.constant 0 : i32
    %c0_i32_0 = arith.constant 0 : i32
    %c0_i32_1 = arith.constant 0 : i32
    return %arg0, %c0_i32, %c0_i32_0 : i32, i32, i32
  }
  func.func @transform_3(%arg0: i32, %arg1: i32) -> (i32, i32, i32) {
    %c0_i32 = arith.constant 0 : i32
    %c0_i32_0 = arith.constant 0 : i32
    return %arg0, %arg1, %c0_i32 : i32, i32, i32
  }
}

module attributes {stable_mosaic.version = 14 : i64} {
  func.func @_mm_body(%arg0: i32, %arg1: i32, %arg2: memref<1x256x128xbf16, #tpu.memory_space<vmem>>, %arg3: memref<1x128x1024xbf16, #tpu.memory_space<vmem>>, %arg4: memref<1x1x1024xf32, #tpu.memory_space<vmem>>, %arg5: memref<1x256x1024xbf16, #tpu.memory_space<vmem>>) attributes {dimension_semantics = [#tpu.dimension_semantics<arbitrary>, #tpu.dimension_semantics<arbitrary>], iteration_bounds = array<i64: 1, 1>, scalar_prefetch = 0 : i64, scratch_operands = 0 : i64, tpu.core_type = #tpu.core_type<tc>, window_params = [{transform_indices = @transform_0, window_bounds = array<i64: 1, 256, 128>}, {transform_indices = @transform_1, window_bounds = array<i64: 1, 128, 1024>}, {transform_indices = @transform_2, window_bounds = array<i64: 1, 1, 1024>}, {transform_indices = @transform_3, window_bounds = array<i64: 1, 256, 1024>}]} {
    %get3A = arith.constant 0 : index
    %get3A_0 = arith.constant 0 : index
    %get3A_1 = arith.constant 0 : index
    %get3A_2 = vector.load %arg2[%get3A, %get3A_0, %get3A_1] : memref<1x256x128xbf16, #tpu.memory_space<vmem>>, vector<1x256x128xbf16>
    %get3A_3 = vector.shape_cast %get3A_2 : vector<1x256x128xbf16> to vector<256x128xbf16>
    %get3A_4 = arith.constant 0 : index
    %get3A_5 = arith.constant 0 : index
    %get3A_6 = arith.constant 0 : index
    %get3A_7 = vector.load %arg3[%get3A_4, %get3A_5, %get3A_6] : memref<1x128x1024xbf16, #tpu.memory_space<vmem>>, vector<1x128x1024xbf16>
    %get3A_8 = vector.shape_cast %get3A_7 : vector<1x128x1024xbf16> to vector<128x1024xbf16>
    %dot_general3A = arith.constant dense<0.000000e+00> : vector<256x1024xf32>
    %dot_general3A_9 = tpu.matmul %get3A_3, %get3A_8, %dot_general3A {dimension_numbers = #tpu.dot_dimension_numbers<[1], [0], [0], [1], [0, 0, 1, 1], [], []>, transpose_lhs_hint = false} : vector<256x128xbf16>, vector<128x1024xbf16>, vector<256x1024xf32> -> vector<256x1024xf32>
    %get3A_10 = arith.constant 0 : index
    %get3A_11 = arith.constant 0 : index
    %get3A_12 = arith.constant 0 : index
    %get3A_13 = vector.load %arg4[%get3A_10, %get3A_11, %get3A_12] : memref<1x1x1024xf32, #tpu.memory_space<vmem>>, vector<1x1x1024xf32>
    %get3A_14 = vector.shape_cast %get3A_13 : vector<1x1x1024xf32> to vector<1x1024xf32>
    %add3A = vector.broadcast %get3A_14 : vector<1x1024xf32> to vector<256x1024xf32>
    %add3A_15 = arith.addf %dot_general3A_9, %add3A : vector<256x1024xf32>
    %max3A = arith.constant 0.000000e+00 : f32
    %max3A_16 = vector.broadcast %max3A : f32 to vector<256x1024xf32>
    %max3A_17 = arith.maximumf %add3A_15, %max3A_16 : vector<256x1024xf32>
    %convert_element_type3A = arith.truncf %max3A_17 : vector<256x1024xf32> to vector<256x1024xbf16>
    %swap3A = arith.constant 0 : index
    %swap3A_18 = arith.constant 0 : index
    %swap3A_19 = arith.constant 0 : index
    %swap3A_20 = vector.load %arg5[%swap3A, %swap3A_18, %swap3A_19] : memref<1x256x1024xbf16, #tpu.memory_space<vmem>>, vector<1x256x1024xbf16>
    %swap3A_21 = vector.shape_cast %swap3A_20 : vector<1x256x1024xbf16> to vector<256x1024xbf16>
    %swap3A_22 = vector.shape_cast %convert_element_type3A : vector<256x1024xbf16> to vector<1x256x1024xbf16>
    tpu.vector_store %arg5[%swap3A, %swap3A_18, %swap3A_19], %swap3A_22 {strides = array<i32>} : memref<1x256x1024xbf16, #tpu.memory_space<vmem>>, vector<1x256x1024xbf16>,
    return
  }
  func.func @transform_0(%arg0: i32, %arg1: i32) -> (i32, i32, i32) {
    %c0_i32 = arith.constant 0 : i32
    %c0_i32_0 = arith.constant 0 : i32
    return %arg0, %arg1, %c0_i32 : i32, i32, i32
  }
  func.func @transform_1(%arg0: i32, %arg1: i32) -> (i32, i32, i32) {
    %c0_i32 = arith.constant 0 : i32
    %c0_i32_0 = arith.constant 0 : i32
    %c0_i32_1 = arith.constant 0 : i32
    return %arg0, %c0_i32, %c0_i32_0 : i32, i32, i32
  }
  func.func @transform_2(%arg0: i32, %arg1: i32) -> (i32, i32, i32) {
    %c0_i32 = arith.constant 0 : i32
    %c0_i32_0 = arith.constant 0 : i32
    %c0_i32_1 = arith.constant 0 : i32
    return %arg0, %c0_i32, %c0_i32_0 : i32, i32, i32
  }
  func.func @transform_3(%arg0: i32, %arg1: i32) -> (i32, i32, i32) {
    %c0_i32 = arith.constant 0 : i32
    %c0_i32_0 = arith.constant 0 : i32
    return %arg0, %arg1, %c0_i32 : i32, i32, i32
  }
}

module attributes {stable_mosaic.version = 14 : i64} {
  func.func @_mm_body(%arg0: i32, %arg1: i32, %arg2: memref<1x4096x64xbf16, #tpu.memory_space<vmem>>, %arg3: memref<1x64x1024xbf16, #tpu.memory_space<vmem>>, %arg4: memref<1x1x1024xf32, #tpu.memory_space<vmem>>, %arg5: memref<1x4096x1024xf32, #tpu.memory_space<vmem>>) attributes {dimension_semantics = [#tpu.dimension_semantics<arbitrary>, #tpu.dimension_semantics<arbitrary>], iteration_bounds = array<i64: 1, 1>, scalar_prefetch = 0 : i64, scratch_operands = 0 : i64, tpu.core_type = #tpu.core_type<tc>, window_params = [{transform_indices = @transform_0, window_bounds = array<i64: 1, 4096, 64>}, {transform_indices = @transform_1, window_bounds = array<i64: 1, 64, 1024>}, {transform_indices = @transform_2, window_bounds = array<i64: 1, 1, 1024>}, {transform_indices = @transform_3, window_bounds = array<i64: 1, 4096, 1024>}]} {
    %get3A = arith.constant 0 : index
    %get3A_0 = arith.constant 0 : index
    %get3A_1 = arith.constant 0 : index
    %get3A_2 = vector.load %arg2[%get3A, %get3A_0, %get3A_1] : memref<1x4096x64xbf16, #tpu.memory_space<vmem>>, vector<1x4096x64xbf16>
    %get3A_3 = vector.shape_cast %get3A_2 : vector<1x4096x64xbf16> to vector<4096x64xbf16>
    %get3A_4 = arith.constant 0 : index
    %get3A_5 = arith.constant 0 : index
    %get3A_6 = arith.constant 0 : index
    %get3A_7 = vector.load %arg3[%get3A_4, %get3A_5, %get3A_6] : memref<1x64x1024xbf16, #tpu.memory_space<vmem>>, vector<1x64x1024xbf16>
    %get3A_8 = vector.shape_cast %get3A_7 : vector<1x64x1024xbf16> to vector<64x1024xbf16>
    %dot_general3A = arith.constant dense<0.000000e+00> : vector<4096x1024xf32>
    %dot_general3A_9 = tpu.matmul %get3A_3, %get3A_8, %dot_general3A {dimension_numbers = #tpu.dot_dimension_numbers<[1], [0], [0], [1], [0, 0, 1, 1], [], []>, transpose_lhs_hint = false} : vector<4096x64xbf16>, vector<64x1024xbf16>, vector<4096x1024xf32> -> vector<4096x1024xf32>
    %get3A_10 = arith.constant 0 : index
    %get3A_11 = arith.constant 0 : index
    %get3A_12 = arith.constant 0 : index
    %get3A_13 = vector.load %arg4[%get3A_10, %get3A_11, %get3A_12] : memref<1x1x1024xf32, #tpu.memory_space<vmem>>, vector<1x1x1024xf32>
    %get3A_14 = vector.shape_cast %get3A_13 : vector<1x1x1024xf32> to vector<1x1024xf32>
    %add3A = vector.broadcast %get3A_14 : vector<1x1024xf32> to vector<4096x1024xf32>
    %add3A_15 = arith.addf %dot_general3A_9, %add3A : vector<4096x1024xf32>
    %swap3A = arith.constant 0 : index
    %swap3A_16 = arith.constant 0 : index
    %swap3A_17 = arith.constant 0 : index
    %swap3A_18 = vector.load %arg5[%swap3A, %swap3A_16, %swap3A_17] : memref<1x4096x1024xf32, #tpu.memory_space<vmem>>, vector<1x4096x1024xf32>
    %swap3A_19 = vector.shape_cast %swap3A_18 : vector<1x4096x1024xf32> to vector<4096x1024xf32>
    %swap3A_20 = vector.shape_cast %add3A_15 : vector<4096x1024xf32> to vector<1x4096x1024xf32>
    tpu.vector_store %arg5[%swap3A, %swap3A_16, %swap3A_17], %swap3A_20 {strides = array<i32>} : memref<1x4096x1024xf32, #tpu.memory_space<vmem>>, vector<1x4096x1024xf32>,
    return
  }
  func.func @transform_0(%arg0: i32, %arg1: i32) -> (i32, i32, i32) {
    %c0_i32 = arith.constant 0 : i32
    %c0_i32_0 = arith.constant 0 : i32
    return %arg0, %arg1, %c0_i32 : i32, i32, i32
  }
  func.func @transform_1(%arg0: i32, %arg1: i32) -> (i32, i32, i32) {
    %c0_i32 = arith.constant 0 : i32
    %c0_i32_0 = arith.constant 0 : i32
    %c0_i32_1 = arith.constant 0 : i32
    return %arg0, %c0_i32, %c0_i32_0 : i32, i32, i32
  }
  func.func @transform_2(%arg0: i32, %arg1: i32) -> (i32, i32, i32) {
    %c0_i32 = arith.constant 0 : i32
    %c0_i32_0 = arith.constant 0 : i32
    %c0_i32_1 = arith.constant 0 : i32
    return %arg0, %c0_i32, %c0_i32_0 : i32, i32, i32
  }
  func.func @transform_3(%arg0: i32, %arg1: i32) -> (i32, i32, i32) {
    %c0_i32 = arith.constant 0 : i32
    %c0_i32_0 = arith.constant 0 : i32
    return %arg0, %arg1, %c0_i32 : i32, i32, i32
  }
}

module attributes {stable_mosaic.version = 14 : i64} {
  func.func @_mm_body(%arg0: i32, %arg1: i32, %arg2: memref<1x4096x64xbf16, #tpu.memory_space<vmem>>, %arg3: memref<1x64x512xbf16, #tpu.memory_space<vmem>>, %arg4: memref<1x1x512xf32, #tpu.memory_space<vmem>>, %arg5: memref<1x4096x512xf32, #tpu.memory_space<vmem>>) attributes {dimension_semantics = [#tpu.dimension_semantics<arbitrary>, #tpu.dimension_semantics<arbitrary>], iteration_bounds = array<i64: 1, 4>, scalar_prefetch = 0 : i64, scratch_operands = 0 : i64, tpu.core_type = #tpu.core_type<tc>, window_params = [{transform_indices = @transform_0, window_bounds = array<i64: 1, 4096, 64>}, {transform_indices = @transform_1, window_bounds = array<i64: 1, 64, 512>}, {transform_indices = @transform_2, window_bounds = array<i64: 1, 1, 512>}, {transform_indices = @transform_3, window_bounds = array<i64: 1, 4096, 512>}]} {
    %get3A = arith.constant 0 : index
    %get3A_0 = arith.constant 0 : index
    %get3A_1 = arith.constant 0 : index
    %get3A_2 = vector.load %arg2[%get3A, %get3A_0, %get3A_1] : memref<1x4096x64xbf16, #tpu.memory_space<vmem>>, vector<1x4096x64xbf16>
    %get3A_3 = vector.shape_cast %get3A_2 : vector<1x4096x64xbf16> to vector<4096x64xbf16>
    %get3A_4 = arith.constant 0 : index
    %get3A_5 = arith.constant 0 : index
    %get3A_6 = arith.constant 0 : index
    %get3A_7 = vector.load %arg3[%get3A_4, %get3A_5, %get3A_6] : memref<1x64x512xbf16, #tpu.memory_space<vmem>>, vector<1x64x512xbf16>
    %get3A_8 = vector.shape_cast %get3A_7 : vector<1x64x512xbf16> to vector<64x512xbf16>
    %dot_general3A = arith.constant dense<0.000000e+00> : vector<4096x512xf32>
    %dot_general3A_9 = tpu.matmul %get3A_3, %get3A_8, %dot_general3A {dimension_numbers = #tpu.dot_dimension_numbers<[1], [0], [0], [1], [0, 0, 1, 1], [], []>, transpose_lhs_hint = false} : vector<4096x64xbf16>, vector<64x512xbf16>, vector<4096x512xf32> -> vector<4096x512xf32>
    %get3A_10 = arith.constant 0 : index
    %get3A_11 = arith.constant 0 : index
    %get3A_12 = arith.constant 0 : index
    %get3A_13 = vector.load %arg4[%get3A_10, %get3A_11, %get3A_12] : memref<1x1x512xf32, #tpu.memory_space<vmem>>, vector<1x1x512xf32>
    %get3A_14 = vector.shape_cast %get3A_13 : vector<1x1x512xf32> to vector<1x512xf32>
    %add3A = vector.broadcast %get3A_14 : vector<1x512xf32> to vector<4096x512xf32>
    %add3A_15 = arith.addf %dot_general3A_9, %add3A : vector<4096x512xf32>
    %swap3A = arith.constant 0 : index
    %swap3A_16 = arith.constant 0 : index
    %swap3A_17 = arith.constant 0 : index
    %swap3A_18 = vector.load %arg5[%swap3A, %swap3A_16, %swap3A_17] : memref<1x4096x512xf32, #tpu.memory_space<vmem>>, vector<1x4096x512xf32>
    %swap3A_19 = vector.shape_cast %swap3A_18 : vector<1x4096x512xf32> to vector<4096x512xf32>
    %swap3A_20 = vector.shape_cast %add3A_15 : vector<4096x512xf32> to vector<1x4096x512xf32>
    tpu.vector_store %arg5[%swap3A, %swap3A_16, %swap3A_17], %swap3A_20 {strides = array<i32>} : memref<1x4096x512xf32, #tpu.memory_space<vmem>>, vector<1x4096x512xf32>,
    return
  }
  func.func @transform_0(%arg0: i32, %arg1: i32) -> (i32, i32, i32) {
    %c0_i32 = arith.constant 0 : i32
    %c0_i32_0 = arith.constant 0 : i32
    return %arg0, %arg1, %c0_i32 : i32, i32, i32
  }
  func.func @transform_1(%arg0: i32, %arg1: i32) -> (i32, i32, i32) {
    %c0_i32 = arith.constant 0 : i32
    %c0_i32_0 = arith.constant 0 : i32
    %c0_i32_1 = arith.constant 0 : i32
    return %arg0, %c0_i32, %c0_i32_0 : i32, i32, i32
  }
  func.func @transform_2(%arg0: i32, %arg1: i32) -> (i32, i32, i32) {
    %c0_i32 = arith.constant 0 : i32
    %c0_i32_0 = arith.constant 0 : i32
    %c0_i32_1 = arith.constant 0 : i32
    return %arg0, %c0_i32, %c0_i32_0 : i32, i32, i32
  }
  func.func @transform_3(%arg0: i32, %arg1: i32) -> (i32, i32, i32) {
    %c0_i32 = arith.constant 0 : i32
    %c0_i32_0 = arith.constant 0 : i32
    return %arg0, %arg1, %c0_i32 : i32, i32, i32
  }
}

module attributes {stable_mosaic.version = 14 : i64} {
  func.func @_mm_body(%arg0: i32, %arg1: i32, %arg2: memref<1x4096x32xbf16, #tpu.memory_space<vmem>>, %arg3: memref<1x32x512xbf16, #tpu.memory_space<vmem>>, %arg4: memref<1x1x512xf32, #tpu.memory_space<vmem>>, %arg5: memref<1x4096x512xf32, #tpu.memory_space<vmem>>) attributes {dimension_semantics = [#tpu.dimension_semantics<arbitrary>, #tpu.dimension_semantics<arbitrary>], iteration_bounds = array<i64: 1, 16>, scalar_prefetch = 0 : i64, scratch_operands = 0 : i64, tpu.core_type = #tpu.core_type<tc>, window_params = [{transform_indices = @transform_0, window_bounds = array<i64: 1, 4096, 32>}, {transform_indices = @transform_1, window_bounds = array<i64: 1, 32, 512>}, {transform_indices = @transform_2, window_bounds = array<i64: 1, 1, 512>}, {transform_indices = @transform_3, window_bounds = array<i64: 1, 4096, 512>}]} {
    %get3A = arith.constant 0 : index
    %get3A_0 = arith.constant 0 : index
    %get3A_1 = arith.constant 0 : index
    %get3A_2 = vector.load %arg2[%get3A, %get3A_0, %get3A_1] : memref<1x4096x32xbf16, #tpu.memory_space<vmem>>, vector<1x4096x32xbf16>
    %get3A_3 = vector.shape_cast %get3A_2 : vector<1x4096x32xbf16> to vector<4096x32xbf16>
    %get3A_4 = arith.constant 0 : index
    %get3A_5 = arith.constant 0 : index
    %get3A_6 = arith.constant 0 : index
    %get3A_7 = vector.load %arg3[%get3A_4, %get3A_5, %get3A_6] : memref<1x32x512xbf16, #tpu.memory_space<vmem>>, vector<1x32x512xbf16>
    %get3A_8 = vector.shape_cast %get3A_7 : vector<1x32x512xbf16> to vector<32x512xbf16>
    %dot_general3A = arith.constant dense<0.000000e+00> : vector<4096x512xf32>
    %dot_general3A_9 = tpu.matmul %get3A_3, %get3A_8, %dot_general3A {dimension_numbers = #tpu.dot_dimension_numbers<[1], [0], [0], [1], [0, 0, 1, 1], [], []>, transpose_lhs_hint = false} : vector<4096x32xbf16>, vector<32x512xbf16>, vector<4096x512xf32> -> vector<4096x512xf32>
    %get3A_10 = arith.constant 0 : index
    %get3A_11 = arith.constant 0 : index
    %get3A_12 = arith.constant 0 : index
    %get3A_13 = vector.load %arg4[%get3A_10, %get3A_11, %get3A_12] : memref<1x1x512xf32, #tpu.memory_space<vmem>>, vector<1x1x512xf32>
    %get3A_14 = vector.shape_cast %get3A_13 : vector<1x1x512xf32> to vector<1x512xf32>
    %add3A = vector.broadcast %get3A_14 : vector<1x512xf32> to vector<4096x512xf32>
    %add3A_15 = arith.addf %dot_general3A_9, %add3A : vector<4096x512xf32>
    %swap3A = arith.constant 0 : index
    %swap3A_16 = arith.constant 0 : index
    %swap3A_17 = arith.constant 0 : index
    %swap3A_18 = vector.load %arg5[%swap3A, %swap3A_16, %swap3A_17] : memref<1x4096x512xf32, #tpu.memory_space<vmem>>, vector<1x4096x512xf32>
    %swap3A_19 = vector.shape_cast %swap3A_18 : vector<1x4096x512xf32> to vector<4096x512xf32>
    %swap3A_20 = vector.shape_cast %add3A_15 : vector<4096x512xf32> to vector<1x4096x512xf32>
    tpu.vector_store %arg5[%swap3A, %swap3A_16, %swap3A_17], %swap3A_20 {strides = array<i32>} : memref<1x4096x512xf32, #tpu.memory_space<vmem>>, vector<1x4096x512xf32>,
    return
  }
  func.func @transform_0(%arg0: i32, %arg1: i32) -> (i32, i32, i32) {
    %c0_i32 = arith.constant 0 : i32
    %c0_i32_0 = arith.constant 0 : i32
    return %arg0, %arg1, %c0_i32 : i32, i32, i32
  }
  func.func @transform_1(%arg0: i32, %arg1: i32) -> (i32, i32, i32) {
    %c0_i32 = arith.constant 0 : i32
    %c0_i32_0 = arith.constant 0 : i32
    %c0_i32_1 = arith.constant 0 : i32
    return %arg0, %c0_i32, %c0_i32_0 : i32, i32, i32
  }
  func.func @transform_2(%arg0: i32, %arg1: i32) -> (i32, i32, i32) {
    %c0_i32 = arith.constant 0 : i32
    %c0_i32_0 = arith.constant 0 : i32
    %c0_i32_1 = arith.constant 0 : i32
    return %arg0, %c0_i32, %c0_i32_0 : i32, i32, i32
  }
  func.func @transform_3(%arg0: i32, %arg1: i32) -> (i32, i32, i32) {
    %c0_i32 = arith.constant 0 : i32
    %c0_i32_0 = arith.constant 0 : i32
    return %arg0, %arg1, %c0_i32 : i32, i32, i32
  }
}

module attributes {stable_mosaic.version = 14 : i64} {
  func.func @_mm_body(%arg0: i32, %arg1: i32, %arg2: memref<1x4096x32xbf16, #tpu.memory_space<vmem>>, %arg3: memref<1x32x48xbf16, #tpu.memory_space<vmem>>, %arg4: memref<1x1x48xf32, #tpu.memory_space<vmem>>, %arg5: memref<1x4096x48xf32, #tpu.memory_space<vmem>>) attributes {dimension_semantics = [#tpu.dimension_semantics<arbitrary>, #tpu.dimension_semantics<arbitrary>], iteration_bounds = array<i64: 1, 64>, scalar_prefetch = 0 : i64, scratch_operands = 0 : i64, tpu.core_type = #tpu.core_type<tc>, window_params = [{transform_indices = @transform_0, window_bounds = array<i64: 1, 4096, 32>}, {transform_indices = @transform_1, window_bounds = array<i64: 1, 32, 48>}, {transform_indices = @transform_2, window_bounds = array<i64: 1, 1, 48>}, {transform_indices = @transform_3, window_bounds = array<i64: 1, 4096, 48>}]} {
    %get3A = arith.constant 0 : index
    %get3A_0 = arith.constant 0 : index
    %get3A_1 = arith.constant 0 : index
    %get3A_2 = vector.load %arg2[%get3A, %get3A_0, %get3A_1] : memref<1x4096x32xbf16, #tpu.memory_space<vmem>>, vector<1x4096x32xbf16>
    %get3A_3 = vector.shape_cast %get3A_2 : vector<1x4096x32xbf16> to vector<4096x32xbf16>
    %get3A_4 = arith.constant 0 : index
    %get3A_5 = arith.constant 0 : index
    %get3A_6 = arith.constant 0 : index
    %get3A_7 = vector.load %arg3[%get3A_4, %get3A_5, %get3A_6] : memref<1x32x48xbf16, #tpu.memory_space<vmem>>, vector<1x32x48xbf16>
    %get3A_8 = vector.shape_cast %get3A_7 : vector<1x32x48xbf16> to vector<32x48xbf16>
    %dot_general3A = arith.constant dense<0.000000e+00> : vector<4096x48xf32>
    %dot_general3A_9 = tpu.matmul %get3A_3, %get3A_8, %dot_general3A {dimension_numbers = #tpu.dot_dimension_numbers<[1], [0], [0], [1], [0, 0, 1, 1], [], []>, transpose_lhs_hint = false} : vector<4096x32xbf16>, vector<32x48xbf16>, vector<4096x48xf32> -> vector<4096x48xf32>
    %get3A_10 = arith.constant 0 : index
    %get3A_11 = arith.constant 0 : index
    %get3A_12 = arith.constant 0 : index
    %get3A_13 = vector.load %arg4[%get3A_10, %get3A_11, %get3A_12] : memref<1x1x48xf32, #tpu.memory_space<vmem>>, vector<1x1x48xf32>
    %get3A_14 = vector.shape_cast %get3A_13 : vector<1x1x48xf32> to vector<1x48xf32>
    %add3A = vector.broadcast %get3A_14 : vector<1x48xf32> to vector<4096x48xf32>
    %add3A_15 = arith.addf %dot_general3A_9, %add3A : vector<4096x48xf32>
    %swap3A = arith.constant 0 : index
    %swap3A_16 = arith.constant 0 : index
    %swap3A_17 = arith.constant 0 : index
    %swap3A_18 = vector.load %arg5[%swap3A, %swap3A_16, %swap3A_17] : memref<1x4096x48xf32, #tpu.memory_space<vmem>>, vector<1x4096x48xf32>
    %swap3A_19 = vector.shape_cast %swap3A_18 : vector<1x4096x48xf32> to vector<4096x48xf32>
    %swap3A_20 = vector.shape_cast %add3A_15 : vector<4096x48xf32> to vector<1x4096x48xf32>
    tpu.vector_store %arg5[%swap3A, %swap3A_16, %swap3A_17], %swap3A_20 {strides = array<i32>} : memref<1x4096x48xf32, #tpu.memory_space<vmem>>, vector<1x4096x48xf32>,
    return
  }
  func.func @transform_0(%arg0: i32, %arg1: i32) -> (i32, i32, i32) {
    %c0_i32 = arith.constant 0 : i32
    %c0_i32_0 = arith.constant 0 : i32
    return %arg0, %arg1, %c0_i32 : i32, i32, i32
  }
  func.func @transform_1(%arg0: i32, %arg1: i32) -> (i32, i32, i32) {
    %c0_i32 = arith.constant 0 : i32
    %c0_i32_0 = arith.constant 0 : i32
    %c0_i32_1 = arith.constant 0 : i32
    return %arg0, %c0_i32, %c0_i32_0 : i32, i32, i32
  }
  func.func @transform_2(%arg0: i32, %arg1: i32) -> (i32, i32, i32) {
    %c0_i32 = arith.constant 0 : i32
    %c0_i32_0 = arith.constant 0 : i32
    %c0_i32_1 = arith.constant 0 : i32
    return %arg0, %c0_i32, %c0_i32_0 : i32, i32, i32
  }
  func.func @transform_3(%arg0: i32, %arg1: i32) -> (i32, i32, i32) {
    %c0_i32 = arith.constant 0 : i32
    %c0_i32_0 = arith.constant 0 : i32
    return %arg0, %arg1, %c0_i32 : i32, i32, i32
  }
}

</mosaic_0001>

<sc_bundles>
// kernel: sparse-core-data-format-call.cloned.1.call-start
scs
called_computation_lowered:
.L_overlay_start_0:
0x0: {  	s1 =	sld [smem:$0x3FD9]  }
0x1: {  	s2 =	sld [smem:$0x3FFE];
	_ =	sdelay $0x1  }
0x2: {  	s3 =	srdreg.scid  }
0x3: {  	s0 =	sand.u32 $0x1, s3  }
0x4: {  	s17 =	sshll.u32 s0, $0xA;
	s1 =	sadd.s32 s2, s1  }
0x5: {  	s1 =	sadd.s32 s1, s17  }
0x6: {  	[smem:$0x3FAE] =	sst s1  }
0x7: {  	_ = 	snop  }
0x8: {  	(tm) =	ssettm $0x1  }
0x9: {  	s18 =	sld [smem:$0x3FFB];
	_ =	sdelay $0x3  }
0xa: {  	_ =	strace s18  }
0xb: {  	s1 =	sld [smem:$0x3FFC];
	_ =	sdelay $0x3  }
0xc: {  	_ =	strace s1  }
0xd: {  	s1 =	sld [smem:$0x3FFD];
	_ =	sdelay $0x3  }
0xe: {  	_ =	strace s1  }
0xf: {  	_ =	strace $0x8FFFFFFF  }
0x10: {  	s19 =	sld [smem:$0x3FDB];
	_ =	sdelay $0x1  }
0x11: {  	s20 =	simm.s32 $_scs_section_size  }
0x12: {  	s4 =	simm.s32 $_size__tile_overlayer_lowered;
	s5 =	simm.s32 $_tile_overlayer_lowered  }
0x13: {  	s23 =	simm.s32 $0x1BFF;
	s22 =	sshll.u32 s5, $0x1;
	s1 =	sadd.s32 s20, s19  }
0x14: {  	s6 =	simm.s32 $0x0;
	s21 =	sshll.u32 s4, $0x1;
	s4 =	sadd.s32 s22, s1  }
0x15: {  	[timem:s6], [sflag:s23] =	dma.local [hbm:s4], s21  }
0x16: {  	_ =	swait.ge [sflag:s23], s21  }
0x17: {  	s2 =	ssub.s32 $0x0, s21;
	[sflag:s23] =	ssyncset.done $0x0  }
0x18: {  	[sflag:s23] =	ssyncadd.s32 s2;
	_ =	sdelay $0x1  }
0x19: {  	s24 =	simm.s32 $0x1B8B  }
0x1a: {  	_ =	swait.ge [sflag:s24], $0x1  }
0x1b: {  	[sflag:s24] =	ssyncset.done $0x0  }
0x1c: {  	s26 =	simm.s32 $0x1B8E;
	s25 =	sld [smem:$0x3FFE];
	[sflag:s24] =	ssyncadd.s32 $0xFFFFFFFF  }
0x1d: {  	s27 =	simm.s32 $execute0_lowered;
	[smem:$0x3FD2] =	sst s26  }
0x1e: {  	s4 =	sshll.u32 s27, $0x1;
	_ =	strace $0x80000046;
	[dreg:$0x1] =	wrdreg $0xFFFFFFFF  }
0x1f: {  	s28 =	simm.s32 $_size_execute0_lowered;
	s1 =	sadd.s32 s1, s4;
	[dreg:$0x0] =	wrdreg $0x0  }
0x20: {  	s4 =	sshll.u32 s28, $0x1;
	[dreg:$0x2] =	wrdreg s1  }
0x21: {  	[dreg:$0x3] =	wrdreg s4  }
0x22: {  	[dreg:$0x4] =	wrdreg $0xC0  }
0x23: {  	_ =	task [dreg:s6], $0x5FFFF  }
0x24: {  	[dreg:$0x1] =	wrdreg $0xFFFFFFFF  }
0x25: {  	[dreg:$0x0] =	wrdreg $0x60  }
0x26: {  	[dreg:$0x2] =	wrdreg s25  }
0x27: {  	[dreg:$0x3] =	wrdreg $0x9  }
0x28: {  	_ =	task.clear_ibuf [dreg:s6], $0x4FFFF;
	_ =	strace $0x90000046  }
0x29: {  	s29 =	simm.s32 $0x9;
	_ =	strace $0x80000048  }
0x2a: {  	_ =	swait.ge [sflag:s29], $0x1  }
0x2b: {  	[sflag:s29] =	ssyncadd.s32 $0xFFFFFFFF  }
0x2c: {  	_ =	strace $0x90000048  }
0x2d: {  	_ =	sfence  }
0x2e: {  	s30 =	sld [smem:$0x0];
	_ =	sdelay $0x2  }
0x2f: {  	s31 =	sshll.u32 s3, $0xD;
	s3 =	sshrl.u32 s3, $0x2  }
0x30: {  	s2 =	sand.u32 $0x4000, s31;
	s1 =	sadd.s32 s3, s30  }
0x31: {  	s0 =	sor.u32 s2, s0;
	s1 =	sshll.u32 s1, $0x11  }
0x32: {  	s0 =	sor.u32 s1, s0  }
0x33: {  	s0 =	sadd.s32 $0x8F2B, s0  }
0x34: {  	[sflag:s0] =	ssyncadd.remote.s32 $0x1  }
0x35: {  	_ =	sfence.sel $0xFFFF  }
0x36: {  	[dreg:$0x0] =	wrdreg $0xFFFFFFFF;
	(pc) =	sbr.abs _section_cstart, $3  }
0x37: {  	[dreg:$0x1] =	wrdreg $0xFFFFFFFF  }
0x38: {  	_ =	task.clear_ibuf [dreg:s6], $0x2FFFF;
	_ =	strace $0x9FFFFFFF  }
0x39: {  	(tm) =	ssettm $0x7FFFFFFF  }
tec
execute0_lowered:
.L_overlay_start_1:
0x0: {  	(tag) =	ssettag $0x1  }
0x1: {  	s1 =	rddreg [dreg:$0x0]  }
0x2: {  	s0 =	rddreg [dreg:$0x1]  }
0x3: {  	s3 =	srdreg.scid;
	_ =	strace $0x80000047;
	s5 =	simm.s32 $0x1  }
0x4: {  	s8 =	simm.s32 $0x2;
	s14 =	simm.s32 $0x0;
	s9 =	simm.s32 $0x40000  }
0x5: {  	s15 =	simm.s32 $0x0;
	s16 =	simm.s32 $0x0;
	s11 =	simm.s32 $0x0  }
0x6: {  	s13 =	stileid.u32;
	s10 =	simm.s32 $0x0;
	s3 =	sand.u32 $0x1, s3  }
.Ltmp0:
0x7: {  	s2 =	sadd.s32 $0x8000, s1;
	s6 =	ssub.s32 $0x10, s3;
	(pc) =	sbr.rel .LBB1_1-.Ltmp0, $4  }
0x8: {  	s4 =	sadd.s32 $0x208000, s1;
	s1 =	stileid.u32;
	s7 =	sshrl.u32 s6, $0x1  }
0x9: {  	[sflag:s5] =	ssyncpa.u1 $0x0;
	s6 =	ssub.s32 s6, s7;
	s7 =	sadd.s32 s3, s7  }
0xa: {  	[sflag:s8] =	ssyncpa.u1 $0x0;
	s8 =	simm.s32 $0x20;
	s7 =	sshll.u32 s7, $0x3  }
0xb: {  	s12 =	smov.u32 s3;
	s6 =	sshll.u32 s6, $0x3;
	s7 =	ssub.s32 $0x82, s7  }
.LBB1_7:
0xc: {  	s17 =	sadd.s32 $0x2, s11  }
0xd: {  	s14 =	sadd.s32 $0x2, s12;
	s18 =	smov.u32 s12;
	p1 =	sgt.s32 s17, $0xF  }
0xe: {  	s18 =	smov.u32 @p1 s14  }
0xf: {  	s20 =	smov.u32 s13;
	s14 =	sadd.s32 $0x10, s13;
	p2 =	sgt.s32 s18, $0xF  }
0x10: {  	p0 =	slt.u32 s10, $0x2;
	s20 =	smov.u32 @p2 s14  }
0x11: {  	s10 =	sadd.s32 $0x1, s10;
	s17 =	simm.s32 @p1 $0x0;
	p1 =	sgt.s32 s20, $0xF  }
0x12: {  	s20 =	smov.u32 @p1 s1;
	p1 =	sne.s32 s10, s7  }
.Ltmp1:
0x13: {  	s19 =	simm.s32 @!p0 $0x2;
	(pc) =	sbr.rel @!p1 .LBB1_8-.Ltmp1, $4  }
0x14: {  	_ =	swait.ge @!p0 [sflag:s19], $0x2000  }
0x15: {  	s15 =	smov.u32 s12;
	s16 =	smov.u32 s13;
	[sflag:s19] =	ssyncset.done @!p0 $0x0  }
0x16: {  	s18 =	smov.u32 @p2 s3;
	s14 =	smov.u32 s11;
	[sflag:s19] =	ssyncadd.s32 @!p0 $0xFFFFE000  }
0x17: {  	s11 =	smov.u32 s17;
	s12 =	smov.u32 s18;
	s13 =	smov.u32 s20  }
.LBB1_1:
0x18: {  	p0 =	sge.u32 s10, s6  }
0x19: {  	s31 =	sadd.s32 $0xFFFFFFFF, s10;
	s17 =	sshll.u32 @!p0 s13, $0x11  }
0x1a: {  	s18 =	sxor.u32 @!p0 $0xFFFFFFFF, s10;
	s19 =	sshll.u32 @!p0 s12, $0xD;
	s17 =	sadd.s32 @!p0 s2, s17  }
0x1b: {  	s20 =	sshll.u32 @!p0 s11, $0x9;
	s18 =	sshll.u32 @!p0 s18, $0xD;
	s17 =	sadd.s32 @!p0 s19, s17  }
0x1c: {  	s18 =	sand.u32 @!p0 $0x2000, s18;
	s19 =	simm.s32 @!p0 $0x0;
	s17 =	sadd.s32 @!p0 s20, s17  }
0x1d: {  	[tilespmem:s18], [sflag:$0x1] =	stream.linear.gather @!p0 [hbm4b:s17+s19], $0x2000, $0x38;
	[tilespmem:$0x8200] =	vst v63  }
0x1e: {  	p0 =	sge.u32 s31, s6  }
.Ltmp2:
0x1f: {  	_ = 	snop;
	(pc) =	sbr.rel @p0 .LBB1_7-.Ltmp2, $1  }
0x20: {  	_ =	sdelay $0x3  }
0x21: {  	s17 =	sand.u32 $0x1, s10  }
0x22: {  	_ =	swait.ge [sflag:s5], $0x2000;
	s18 =	smul.u32 $0x8400, s17  }
0x23: {  	[sflag:s5] =	ssyncset.done $0x0  }
0x24: {  	[sflag:s5] =	ssyncadd.s32 $0xFFFFE000;
	s19 =	sshrl.u32 s18, $0x2  }
0x25: {  	s18 =	sshll.u32 s17, $0xD;
	s17 =	sor.u32 $0x4000, s19;
	s19 =	simm.s32 $0x0  }
.LBB1_3:
0x26: {  	s20 =	sshll.u32 s19, $0x7  }
0x27: {  	s21 =	sshll.u32 s19, $0x6;
	s20 =	sand.u32 $0xC00, s20  }
0x28: {  	s21 =	sand.u32 $0x180, s21;
	s20 =	sadd.s32 s20, s18  }
0x29: {  	s23 =	sadd.s32 s21, s20  }
0x2a: {  	s22 =	sshll.u32 s19, $0x1;
	v0 =	vmov s23  }
0x2b: {  	p0 =	por $0x1, $0x1;
	s31 =	sor.u32 $0x2, s22  }
0x2c: {  	s20 =	sshrl.u32 s22, $0x1;
	s21 =	sshrl.u32 s31, $0x1;
	s22 =	simm.s32 $0x0  }
.LBB1_4:
0x2d: {  	s23 =	sshll.u32 s22, $0x2  }
0x2e: {  	s23 =	sand.u32 $0x3FFFFFFC, s23  }
0x2f: {  	v1 =	vld.idx.msk [tilespmem:v0+s23+$0x0 ss:$0x1], $0xffff  }
0x30: {  	v2 =	vld.idx.msk [tilespmem:v0+s23+$0x1000 ss:$0x1], $0xffff  }
0x31: {  	v3 =	vld.idx.msk [tilespmem:v0+s23+$0x10 ss:$0x1], $0xffff  }
0x32: {  	s26 =	smul.u32 $0x84, s22;
	v4 =	vld.idx.msk [tilespmem:v0+s23+$0x1010 ss:$0x1], $0xffff  }
0x33: {  	v5 =	vld.idx.msk [tilespmem:v0+s23+$0x20 ss:$0x1], $0xffff  }
0x34: {  	s22 =	sshra.s32 s26, $0x2;
	v6 =	vld.idx.msk [tilespmem:v0+s23+$0x1020 ss:$0x1], $0xffff  }
0x35: {  	v9 =	vld.idx.msk [tilespmem:v0+s23+$0x30 ss:$0x1], $0xffff;
	s22 =	sadd.s32 s22, s17;
	v7 =	vunpack.i.l.s16.s32 v1;
	v8 =	vunpack.i.l.s16.s32 v2  }
0x36: {  	v51 =	vld.idx.msk [tilespmem:v0+s23+$0x1030 ss:$0x1], $0xffff;
	s24 =	sadd.s32 s20, s22;
	v1 =	vunpack.i.u.s16.s32 v1;
	v2 =	vunpack.i.u.s16.s32 v2;
	v7 =	vpack.i.b32.b16 v8, v7  }
0x37: {  	v10 =	vld.idx.msk [tilespmem:v0+s23+$0x40 ss:$0x1], $0xffff;
	s27 =	sadd.s32 s21, s22;
	s25 =	sadd.s32 $0x210, s22;
	v52 =	vunpack.i.l.s16.s32 v4;
	v1 =	vpack.i.b32.b16 v2, v1;
	v2 =	vunpack.i.l.s16.s32 v3;
	[tilespmem:s24+$0x0 ss:$0x21] =	vst.msk $0xffff, v7  }
0x38: {  	v53 =	vld.idx.msk [tilespmem:v0+s23+$0x1040 ss:$0x1], $0xffff;
	s28 =	sadd.s32 s20, s25;
	v2 =	vpack.i.b32.b16 v52, v2;
	[tilespmem:s27+$0x0 ss:$0x21] =	vst.msk $0xffff, v1;
	v1 =	vunpack.i.u.s16.s32 v3;
	v3 =	vunpack.i.u.s16.s32 v4  }
0x39: {  	v54 =	vld.idx.msk [tilespmem:v0+s23+$0x50 ss:$0x1], $0xffff;
	s30 =	sadd.s32 $0x420, s22;
	s29 =	sadd.s32 s21, s25;
	[tilespmem:s28+$0x0 ss:$0x21] =	vst.msk $0xffff, v2;
	v2 =	vunpack.i.l.s16.s32 v5;
	v1 =	vpack.i.b32.b16 v3, v1;
	v3 =	vunpack.i.l.s16.s32 v6  }
0x3a: {  	s31 =	sadd.s32 s20, s30;
	v55 =	vunpack.i.u.s16.s32 v6;
	[tilespmem:s29+$0x0 ss:$0x21] =	vst.msk $0xffff, v1;
	v1 =	vunpack.i.u.s16.s32 v5;
	v2 =	vpack.i.b32.b16 v3, v2;
	v3 =	vld.idx.msk [tilespmem:v0+s23+$0x1050 ss:$0x1], $0xffff  }
0x3b: {  	v57 =	vld.idx.msk [tilespmem:v0+s23+$0x60 ss:$0x1], $0xffff;
	s26 =	sadd.s32 s21, s30;
	v56 =	vunpack.i.l.s16.s32 v51;
	s27 =	sadd.s32 $0x630, s22;
	[tilespmem:s31+$0x0 ss:$0x21] =	vst.msk $0xffff, v2;
	v1 =	vpack.i.b32.b16 v55, v1;
	v2 =	vunpack.i.l.s16.s32 v9  }
0x3c: {  	v58 =	vld.idx.msk [tilespmem:v0+s23+$0x1060 ss:$0x1], $0xffff;
	v8 =	vunpack.i.u.s16.s32 v51;
	s28 =	sadd.s32 s20, s27;
	[tilespmem:s26+$0x0 ss:$0x21] =	vst.msk $0xffff, v1;
	v1 =	vunpack.i.u.s16.s32 v9;
	v2 =	vpack.i.b32.b16 v56, v2  }
0x3d: {  	v60 =	vld.idx.msk [tilespmem:v0+s23+$0x70 ss:$0x1], $0xffff;
	s30 =	sadd.s32 $0x840, s22;
	v59 =	vunpack.i.l.s16.s32 v53;
	s29 =	sadd.s32 s21, s27;
	[tilespmem:s28+$0x0 ss:$0x21] =	vst.msk $0xffff, v2;
	v1 =	vpack.i.b32.b16 v8, v1;
	v2 =	vunpack.i.l.s16.s32 v10  }
0x3e: {  	v61 =	vld.idx.msk [tilespmem:v0+s23+$0x1070 ss:$0x1], $0xffff;
	v4 =	vunpack.i.u.s16.s32 v53;
	s31 =	sadd.s32 s20, s30;
	[tilespmem:s29+$0x0 ss:$0x21] =	vst.msk $0xffff, v1;
	v1 =	vunpack.i.u.s16.s32 v10;
	v2 =	vpack.i.b32.b16 v59, v2  }
0x3f: {  	s25 =	sadd.s32 $0xA50, s22;
	s24 =	sadd.s32 s21, s30;
	[tilespmem:s31+$0x0 ss:$0x21] =	vst.msk $0xffff, v2;
	v1 =	vpack.i.b32.b16 v4, v1;
	v2 =	vunpack.i.l.s16.s32 v54;
	v62 =	vunpack.i.l.s16.s32 v3  }
0x40: {  	s26 =	sadd.s32 s20, s25;
	v3 =	vunpack.i.u.s16.s32 v3;
	[tilespmem:s24+$0x0 ss:$0x21] =	vst.msk $0xffff, v1;
	v1 =	vpack.i.b32.b16 v62, v2;
	v2 =	vunpack.i.u.s16.s32 v54  }
0x41: {  	p1 =	por p0, p0;
	s27 =	sadd.s32 s21, s25;
	s28 =	sadd.s32 $0xC60, s22;
	[tilespmem:s26+$0x0 ss:$0x21] =	vst.msk $0xffff, v1;
	v1 =	vpack.i.b32.b16 v3, v2;
	v2 =	vunpack.i.l.s16.s32 v57;
	v3 =	vunpack.i.l.s16.s32 v58  }
.Ltmp3:
0x42: {  	s29 =	sadd.s32 s20, s28;
	[tilespmem:s27+$0x0 ss:$0x21] =	vst.msk $0xffff, v1;
	v1 =	vpack.i.b32.b16 v3, v2;
	v2 =	vunpack.i.u.s16.s32 v57;
	v3 =	vunpack.i.u.s16.s32 v58;
	(pc) =	sbr.rel @p1 .LBB1_4-.Ltmp3, $4  }
0x43: {  	s22 =	sadd.s32 $0xE70, s22;
	s30 =	sadd.s32 s21, s28;
	[tilespmem:s29+$0x0 ss:$0x21] =	vst.msk $0xffff, v1;
	v1 =	vpack.i.b32.b16 v3, v2;
	v2 =	vunpack.i.l.s16.s32 v60;
	v3 =	vunpack.i.l.s16.s32 v61  }
0x44: {  	v63 =	vunpack.i.u.s16.s32 v61;
	s31 =	sadd.s32 s20, s22;
	[tilespmem:s30+$0x0 ss:$0x21] =	vst.msk $0xffff, v1;
	v1 =	vunpack.i.u.s16.s32 v60;
	v2 =	vpack.i.b32.b16 v3, v2  }
0x45: {  	s22 =	sadd.s32 s21, s22;
	[tilespmem:s31+$0x0 ss:$0x21] =	vst.msk $0xffff, v2;
	v1 =	vpack.i.b32.b16 v63, v1  }
0x46: {  	p0 =	por $0x0, $0x0;
	[tilespmem:s22+$0x0 ss:$0x21] =	vst.msk $0xffff, v1;
	s22 =	simm.s32 $0x80  }
0x47: {  	p0 =	slt.u32 s19, $0x1E  }
.Ltmp4:
0x48: {  	_ = 	snop;
	(pc) =	sbr.rel @p0 .LBB1_3-.Ltmp4, $3  }
0x49: {  	_ =	sdelay $0x1  }
0x4a: {  	s20 =	sadd.s32 $0x2, s19  }
0x4b: {  	s19 =	smov.u32 s20  }
.Ltmp5:
0x4c: {  	s16 =	sshll.u32 s16, $0xB;
	(pc) =	sbr.rel .LBB1_7-.Ltmp5, $4  }
0x4d: {  	s15 =	sshll.u32 s15, $0x7;
	s14 =	sshll.u32 s14, $0x3;
	s16 =	sadd.s32 s4, s16  }
0x4e: {  	s14 =	sand.u32 $0x70, s14;
	s15 =	sadd.s32 s15, s16  }
0x4f: {  	s14 =	sadd.s32 s14, s15  }
0x50: {  	[hbm4b:s14+s8] =	stream.strided.scatter [tilespmem:s17], [sflag:$0x2], $0x2000, s9, s8, $0x10;
	[tilespmem:$0x8200] =	vst v63  }
.LBB1_8:
0x51: {  	_ =	sfence.sel $0x180000  }
0x52: {  	s2 =	simm.s32 $0x1;
	[bflag:$0x0] =	sbarrier.arrive $0xFFFF  }
0x53: {  	s31 =	simm.s32 $0x2;
	[sflag:s2] =	ssyncpa.u1 $0x1  }
0x54: {  	[sflag:s31] =	ssyncpa.u1 $0x1  }
0x55: {  	p0 =	sne.s32 s1, $0x0;
	_ =	strace $0x90000047  }
0x56: {  	s0 =	sadd.s32 @!p0 $0x100000, s0;
	[bflag:$0x2] =	sbarrier.arrive $0xFFFF  }
0x57: {  	[sflag:s0] =	ssyncadd.tile.s32 @!p0 $0x1;
	_ =	shalt  }
.Lfunc_end1:
_tile_overlayer_lowered:
.L_overlay_start_2:
0x58: {  	(tag) =	ssettag $0x2  }
0x59: {  	s0 =	rddreg [dreg:$0x0];
	s2 =	stileid.u32  }
0x5a: {  	s1 =	rddreg [dreg:$0x1];
	p0 =	sne.s32 s2, $0x0  }
0x5b: {  	s3 =	rddreg [dreg:$0x2];
	[bflag:$0x3] =	sbarrier.arrive $0xFFFF;
	s2 =	simm.s32 @!p0 $0x1C01  }
0x5c: {  	[timem:s3], [sflag:s2] =	dma.local @!p0 [hbm:s0], s1  }
0x5d: {  	s0 =	simm.s32 @!p0 $0x1  }
0x5e: {  	_ =	swait.ge @!p0 [sflag:s0], s1  }
0x5f: {  	s1 =	ssub.s32 @!p0 $0x0, s1;
	[sflag:s0] =	ssyncset.done @!p0 $0x0  }
0x60: {  	[sflag:s0] =	ssyncadd.s32 @!p0 s1  }
0x61: {  	[bflag:$0x3] =	sbarrier.arrive $0xFFFF  }
0x62: {  	_ =	shalt  }

</sc_bundles>
